<compile_context>
chip_gen: v7x
topology: tpu7x:2x2x1
jax: 0.10.2.dev20260603
libtpu: 0.0.44.dev20260713+nightly
codegen_flags: <defaults>
</compile_context>

<pallas_src>
import functools

import jax
import jax.numpy as jnp
from jax import lax
from jax.experimental import pallas as pl
from jax.experimental.pallas import tpu as pltpu
from jax.experimental.pallas import tpu_sc as plsc

B = 4096
L = 200
D = 128
NW = 32
CW = 128
ROWS_PER_W = (B * L) // NW
CHUNKS = ROWS_PER_W // CW
LANES = 16


@jax.jit
def _sc_embed(x3, table, pos):
  mesh = plsc.VectorSubcoreMesh(core_axis_name="c", subcore_axis_name="s")

  @functools.partial(
      pl.kernel,
      out_type=jax.ShapeDtypeStruct((B * L, D), jnp.float32),
      mesh=mesh,
      scratch_types=[
          pltpu.VMEM((CHUNKS, CW), jnp.int32),
          pltpu.VMEM((2 * L, D), jnp.float32),
          pltpu.VMEM((2, CW, D), jnp.float32),
          pltpu.SemaphoreType.DMA,
          pltpu.SemaphoreType.DMA,
          pltpu.SemaphoreType.DMA,
          pltpu.SemaphoreType.DMA,
      ],
  )
  def k(x_hbm, tab_hbm, pos_hbm, out_hbm, idx_v, pos_v, buf_v,
        gsem0, gsem1, wsem0, wsem1):
    cid = lax.axis_index("c")
    sid = lax.axis_index("s")
    wid = sid * 2 + cid
    pltpu.sync_copy(x_hbm.at[wid], idx_v)
    pltpu.sync_copy(pos_hbm, pos_v)
    base = wid * ROWS_PER_W

    def add_pos(slot, c):
      l0 = lax.rem(base + c * CW, L)

      @plsc.parallel_loop(0, CW, unroll=4)
      def _(j):
        lrow = l0 + j
        for kk in range(0, D, LANES):
          slc = pl.ds(kk, LANES)
          plsc.addupdate(buf_v.at[slot, j, slc], pos_v[lrow, slc])

    def start_gather(slot, c, sem):
      pltpu.async_copy(tab_hbm.at[idx_v.at[c]], buf_v.at[slot], sem)

    def start_write(slot, c, sem):
      pltpu.async_copy(buf_v.at[slot], out_hbm.at[pl.ds(base + c * CW, CW)],
                       sem)

    def wait_gather(slot, c, sem):
      pltpu.make_async_copy(tab_hbm.at[idx_v.at[c]], buf_v.at[slot],
                            sem).wait()

    def wait_write(slot, c, sem):
      pltpu.make_async_copy(buf_v.at[slot],
                            out_hbm.at[pl.ds(base + c * CW, CW)], sem).wait()

    start_gather(0, 0, gsem0)

    @pl.loop(0, CHUNKS, step=2)
    def _(c):
      wait_gather(0, c, gsem0)

      @pl.when(c > 0)
      def _():
        wait_write(1, c - 1, wsem1)

      start_gather(1, c + 1, gsem1)
      add_pos(0, c)
      start_write(0, c, wsem0)
      wait_gather(1, c + 1, gsem1)

      @pl.when(c + 2 < CHUNKS)
      def _():
        wait_write(0, c, wsem0)
        start_gather(0, c + 2, gsem0)

      add_pos(1, c + 1)
      start_write(1, c + 1, wsem1)

    wait_write(0, CHUNKS - 2, wsem0)
    wait_write(1, CHUNKS - 1, wsem1)

  return k(x3, table, pos)


def kernel(x, input_table, pos_table):
  x3 = x.astype(jnp.int32).reshape(NW, CHUNKS, CW)
  pos2 = jnp.concatenate([pos_table, pos_table], axis=0)
  out = _sc_embed(x3, input_table, pos2)
  return out.reshape(B, L, D)

# --- scband reference (transcript-rebuilt; emitter-appended) ---
"""Pipeline reference for scband-embedding-25065429139562 (READ-ONLY COPY).

The authoritative reference and input builder live on the scoring server;
editing this copy changes nothing except your own understanding.
"""

import jax, jax.numpy as jnp
import numpy as np

NUM_EMBEDDINGS = 100000
EMBEDDING_DIM = 128
MAX_TOKEN_LENGTH = 200
PADDING_IDX = 0
BATCH = 4096
SEQ_LEN = 200


def setup_inputs(seed: int = 0) -> dict:
    key = jax.random.key(seed)
    k1, k2, k3 = jax.random.split(key, 3)
    input_table = jax.random.normal(k1, (NUM_EMBEDDINGS, EMBEDDING_DIM), dtype=jnp.float32)
    # torch.nn.Embedding with padding_idx zeros that row
    input_table = input_table.at[PADDING_IDX].set(0.0)
    pos_table = jax.random.normal(k2, (MAX_TOKEN_LENGTH, EMBEDDING_DIM), dtype=jnp.float32)
    x = jax.random.randint(k3, (BATCH, SEQ_LEN), 0, NUM_EMBEDDINGS)
    return {"x": x, "input_table": input_table, "pos_table": pos_table}


def reference(x, input_table, pos_table):
    # position = torch.range(0, L-1) broadcast to [B, L]
    B, L = x.shape
    position = jnp.arange(L, dtype=jnp.int32)
    pos_emb = jnp.take(pos_table, position, axis=0)          # [L, d]
    inp_emb = jnp.take(input_table, x, axis=0)               # [B, L, d] gather
    return pos_emb[None, :, :] + inp_emb

if __name__ == "__main__":
    import jax
    _d = setup_inputs()
    print(jax.jit(kernel)(*tuple(_d.values())))

</pallas_src>

<mosaic_0001>
#map = affine_map<(d0, d1) -> (0, 0, 0)>
#map1 = affine_map<(d0, d1) -> (0, 0)>
module attributes {stable_mosaic.version = 14 : i64} {
  func.func @k(%arg0: i32, %arg1: i32, %arg2: memref<32x200x128xi32, #tpu.memory_space<hbm>>, %arg3: memref<100000x128xf32, #tpu.memory_space<hbm>>, %arg4: memref<400x128xf32, #tpu.memory_space<hbm>>, %arg5: memref<819200x128xf32, #tpu.memory_space<hbm>>, %arg6: memref<200x128xi32, #tpu.memory_space<vmem>>, %arg7: memref<400x128xf32, #tpu.memory_space<vmem>>, %arg8: memref<2x128x128xf32, #tpu.memory_space<vmem>>, %arg9: memref<!tpu.dma_semaphore, #tpu.memory_space<semaphore_mem>>, %arg10: memref<!tpu.dma_semaphore, #tpu.memory_space<semaphore_mem>>, %arg11: memref<!tpu.dma_semaphore, #tpu.memory_space<semaphore_mem>>, %arg12: memref<!tpu.dma_semaphore, #tpu.memory_space<semaphore_mem>>) attributes {dimension_semantics = [#tpu.dimension_semantics<core_parallel>, #tpu.dimension_semantics<subcore_parallel>], iteration_bounds = array<i64: 2, 16>, scalar_prefetch = 0 : i64, scratch_operands = 7 : i64, tpu.core_type = #tpu.core_type<sc_vector_subcore>, window_params = [{transform_indices = #map}, {transform_indices = #map1}, {transform_indices = #map1}, {transform_indices = #map1}]} {
    %mul3A = arith.constant 2 : i32
    %mul3A_0 = arith.muli %arg1, %mul3A : i32
    %add3A = arith.addi %mul3A_0, %arg0 : i32
    "tpu.region"() ({
      %run_scoped3A = tpu.sem_alloc : memref<!tpu.dma_semaphore, #tpu.memory_space<semaphore_mem>>
      %dma_start3A_47 = arith.constant 0 : i32
      %dma_start3A_48 = arith.constant 0 : i32
      %dma_start3A_49 = tpu.memref_slice %arg2[%add3A, %dma_start3A_47, %dma_start3A_48] : memref<32x200x128xi32, #tpu.memory_space<hbm>> -> memref<1x200x128xi32, #tpu.memory_space<hbm>>
      %dma_start3A_50 = tpu.memref_squeeze %dma_start3A_49 : memref<1x200x128xi32, #tpu.memory_space<hbm>> -> memref<200x128xi32, #tpu.memory_space<hbm>>
      %dma_start3A_51 = arith.constant 0 : i32
      %dma_start3A_52 = arith.constant 0 : i32
      %dma_start3A_53 = tpu.memref_slice %arg2[%add3A, %dma_start3A_51, %dma_start3A_52] : memref<32x200x128xi32, #tpu.memory_space<hbm>> -> memref<1x200x128xi32, #tpu.memory_space<hbm>>
      %dma_start3A_54 = tpu.memref_squeeze %dma_start3A_53 : memref<1x200x128xi32, #tpu.memory_space<hbm>> -> memref<200x128xi32, #tpu.memory_space<hbm>>
      tpu.enqueue_dma source(%dma_start3A_54 : memref<200x128xi32, #tpu.memory_space<hbm>>) target(%arg6 : memref<200x128xi32, #tpu.memory_space<vmem>>) target_semaphore(%run_scoped3A : memref<!tpu.dma_semaphore, #tpu.memory_space<semaphore_mem>>)
      %dma_wait3A_55 = arith.constant 0 : i32
      %dma_wait3A_56 = arith.constant 0 : i32
      %dma_wait3A_57 = tpu.memref_slice %arg2[%add3A, %dma_wait3A_55, %dma_wait3A_56] : memref<32x200x128xi32, #tpu.memory_space<hbm>> -> memref<1x200x128xi32, #tpu.memory_space<hbm>>
      %dma_wait3A_58 = tpu.memref_squeeze %dma_wait3A_57 : memref<1x200x128xi32, #tpu.memory_space<hbm>> -> memref<200x128xi32, #tpu.memory_space<hbm>>
      %dma_wait3A_59 = arith.constant 0 : i32
      %dma_wait3A_60 = arith.constant 0 : i32
      %dma_wait3A_61 = tpu.memref_slice %arg2[%add3A, %dma_wait3A_59, %dma_wait3A_60] : memref<32x200x128xi32, #tpu.memory_space<hbm>> -> memref<1x200x128xi32, #tpu.memory_space<hbm>>
      %dma_wait3A_62 = tpu.memref_squeeze %dma_wait3A_61 : memref<1x200x128xi32, #tpu.memory_space<hbm>> -> memref<200x128xi32, #tpu.memory_space<hbm>>
      tpu.wait_dma2 semaphore(%run_scoped3A : memref<!tpu.dma_semaphore, #tpu.memory_space<semaphore_mem>>) src(%dma_wait3A_62 : memref<200x128xi32, #tpu.memory_space<hbm>>) dst(%arg6 : memref<200x128xi32, #tpu.memory_space<vmem>>)
      tpu.yield
    }) : () -> ()
    "tpu.region"() ({
      %run_scoped3A = tpu.sem_alloc : memref<!tpu.dma_semaphore, #tpu.memory_space<semaphore_mem>>
      tpu.enqueue_dma source(%arg4 : memref<400x128xf32, #tpu.memory_space<hbm>>) target(%arg7 : memref<400x128xf32, #tpu.memory_space<vmem>>) target_semaphore(%run_scoped3A : memref<!tpu.dma_semaphore, #tpu.memory_space<semaphore_mem>>)
      tpu.wait_dma2 semaphore(%run_scoped3A : memref<!tpu.dma_semaphore, #tpu.memory_space<semaphore_mem>>) src(%arg4 : memref<400x128xf32, #tpu.memory_space<hbm>>) dst(%arg7 : memref<400x128xf32, #tpu.memory_space<vmem>>)
      tpu.yield
    }) : () -> ()
    %mul3A_1 = arith.constant 25600 : i32
    %mul3A_2 = arith.muli %add3A, %mul3A_1 : i32
    %dma_start3A = arith.constant 0 : i32
    %dma_start3A_3 = arith.constant 0 : i32
    %dma_start3A_4 = arith.constant 0 : i32
    %dma_start3A_5 = arith.constant 0 : i32
    %dma_start3A_6 = tpu.memref_slice %arg8[%dma_start3A_3, %dma_start3A_4, %dma_start3A_5] : memref<2x128x128xf32, #tpu.memory_space<vmem>> -> memref<1x128x128xf32, #tpu.memory_space<vmem>>
    %dma_start3A_7 = tpu.memref_squeeze %dma_start3A_6 : memref<1x128x128xf32, #tpu.memory_space<vmem>> -> memref<128x128xf32, #tpu.memory_space<vmem>>
    %dma_start3A_8 = arith.constant 0 : i32
    %dma_start3A_9 = tpu.memref_slice %arg6[%dma_start3A, %dma_start3A_8] : memref<200x128xi32, #tpu.memory_space<vmem>> -> memref<1x128xi32, #tpu.memory_space<vmem>>
    %dma_start3A_10 = tpu.memref_squeeze %dma_start3A_9 : memref<1x128xi32, #tpu.memory_space<vmem>> -> memref<128xi32, #tpu.memory_space<vmem>>
    %dma_start3A_11 = arith.constant 0 : i32
    %dma_start3A_12 = arith.constant 0 : i32
    %dma_start3A_13 = tpu.memref_slice %arg3[%dma_start3A_11, %dma_start3A_12] : memref<100000x128xf32, #tpu.memory_space<hbm>> -> memref<100000x128xf32, #tpu.memory_space<hbm>>
    tpu.enqueue_indirect_dma source(%dma_start3A_13 : memref<100000x128xf32, #tpu.memory_space<hbm>>) target(%dma_start3A_7 : memref<128x128xf32, #tpu.memory_space<vmem>>) offsets(%dma_start3A_10 : memref<128xi32, #tpu.memory_space<vmem>>) semaphore(%arg9 : memref<!tpu.dma_semaphore, #tpu.memory_space<semaphore_mem>>)
    %scan3A = arith.constant 0 : i32
    %scan3A_14 = arith.constant 100 : i32
    %scan3A_15 = arith.addi %scan3A, %scan3A_14 : i32
    %scan3A_16 = arith.constant 1 : i32
    scf.for %scan3A_47 = %scan3A to %scan3A_15 step %scan3A_16  : i32 {
      %mul3A_48 = arith.constant 2 : i32
      %mul3A_49 = arith.muli %scan3A_47, %mul3A_48 : i32
      %add3A_50 = arith.constant 0 : i32
      %add3A_51 = arith.addi %add3A_50, %mul3A_49 : i32
      %dma_wait3A_52 = arith.constant 0 : i32
      %dma_wait3A_53 = arith.constant 0 : i32
      %dma_wait3A_54 = arith.constant 0 : i32
      %dma_wait3A_55 = tpu.memref_slice %arg8[%dma_wait3A_52, %dma_wait3A_53, %dma_wait3A_54] : memref<2x128x128xf32, #tpu.memory_space<vmem>> -> memref<1x128x128xf32, #tpu.memory_space<vmem>>
      %dma_wait3A_56 = tpu.memref_squeeze %dma_wait3A_55 : memref<1x128x128xf32, #tpu.memory_space<vmem>> -> memref<128x128xf32, #tpu.memory_space<vmem>>
      %dma_wait3A_57 = arith.constant 0 : i32
      %dma_wait3A_58 = tpu.memref_slice %arg6[%add3A_51, %dma_wait3A_57] : memref<200x128xi32, #tpu.memory_space<vmem>> -> memref<1x128xi32, #tpu.memory_space<vmem>>
      %dma_wait3A_59 = tpu.memref_squeeze %dma_wait3A_58 : memref<1x128xi32, #tpu.memory_space<vmem>> -> memref<128xi32, #tpu.memory_space<vmem>>
      %dma_wait3A_60 = arith.constant 0 : i32
      %dma_wait3A_61 = arith.constant 0 : i32
      %dma_wait3A_62 = tpu.memref_slice %arg3[%dma_wait3A_60, %dma_wait3A_61] : memref<100000x128xf32, #tpu.memory_space<hbm>> -> memref<100000x128xf32, #tpu.memory_space<hbm>>
      tpu.wait_indirect_dma semaphore(%arg9 : memref<!tpu.dma_semaphore, #tpu.memory_space<semaphore_mem>>) src(%dma_wait3A_62 : memref<100000x128xf32, #tpu.memory_space<hbm>>) dst(%dma_wait3A_56 : memref<128x128xf32, #tpu.memory_space<vmem>>)
      %gt3A = arith.constant 0 : i32
      %gt3A_63 = arith.cmpi sgt, %add3A_51, %gt3A : i32
      %convert_element_type3A = arith.extui %gt3A_63 : i1 to i32
      %cond3A = arith.constant 0 : i32
      %cond3A_64 = arith.cmpi ne, %convert_element_type3A, %cond3A : i32
      scf.if %cond3A_64 {
        %sub3A = arith.constant 1 : i32
        %sub3A_147 = arith.subi %add3A_51, %sub3A : i32
        %mul3A_148 = arith.constant 128 : i32
        %mul3A_149 = arith.muli %sub3A_147, %mul3A_148 : i32
        %add3A_150 = arith.addi %mul3A_2, %mul3A_149 : i32
        %dma_wait3A_151 = arith.constant 1 : i32
        %dma_wait3A_152 = arith.constant 0 : i32
        %dma_wait3A_153 = arith.constant 0 : i32
        %dma_wait3A_154 = tpu.memref_slice %arg8[%dma_wait3A_151, %dma_wait3A_152, %dma_wait3A_153] : memref<2x128x128xf32, #tpu.memory_space<vmem>> -> memref<1x128x128xf32, #tpu.memory_space<vmem>>
        %dma_wait3A_155 = tpu.memref_squeeze %dma_wait3A_154 : memref<1x128x128xf32, #tpu.memory_space<vmem>> -> memref<128x128xf32, #tpu.memory_space<vmem>>
        %dma_wait3A_156 = arith.constant 0 : i32
        %dma_wait3A_157 = tpu.memref_slice %arg5[%add3A_150, %dma_wait3A_156] : memref<819200x128xf32, #tpu.memory_space<hbm>> -> memref<128x128xf32, #tpu.memory_space<hbm>>
        %dma_wait3A_158 = arith.constant 0 : i32
        %dma_wait3A_159 = tpu.memref_slice %arg5[%add3A_150, %dma_wait3A_158] : memref<819200x128xf32, #tpu.memory_space<hbm>> -> memref<128x128xf32, #tpu.memory_space<hbm>>
        %dma_wait3A_160 = arith.constant 0 : i32
        %dma_wait3A_161 = arith.constant 0 : i32
        %dma_wait3A_162 = tpu.memref_slice %arg8[%dma_wait3A_151, %dma_wait3A_160, %dma_wait3A_161] : memref<2x128x128xf32, #tpu.memory_space<vmem>> -> memref<1x128x128xf32, #tpu.memory_space<vmem>>
        %dma_wait3A_163 = tpu.memref_squeeze %dma_wait3A_162 : memref<1x128x128xf32, #tpu.memory_space<vmem>> -> memref<128x128xf32, #tpu.memory_space<vmem>>
        tpu.wait_dma2 semaphore(%arg12 : memref<!tpu.dma_semaphore, #tpu.memory_space<semaphore_mem>>) src(%dma_wait3A_163 : memref<128x128xf32, #tpu.memory_space<vmem>>) dst(%dma_wait3A_159 : memref<128x128xf32, #tpu.memory_space<hbm>>)
      } else {
      }
      %add3A_65 = arith.constant 1 : i32
      %add3A_66 = arith.addi %add3A_51, %add3A_65 : i32
      %dma_start3A_67 = arith.constant 1 : i32
      %dma_start3A_68 = arith.constant 0 : i32
      %dma_start3A_69 = arith.constant 0 : i32
      %dma_start3A_70 = tpu.memref_slice %arg8[%dma_start3A_67, %dma_start3A_68, %dma_start3A_69] : memref<2x128x128xf32, #tpu.memory_space<vmem>> -> memref<1x128x128xf32, #tpu.memory_space<vmem>>
      %dma_start3A_71 = tpu.memref_squeeze %dma_start3A_70 : memref<1x128x128xf32, #tpu.memory_space<vmem>> -> memref<128x128xf32, #tpu.memory_space<vmem>>
      %dma_start3A_72 = arith.constant 0 : i32
      %dma_start3A_73 = tpu.memref_slice %arg6[%add3A_66, %dma_start3A_72] : memref<200x128xi32, #tpu.memory_space<vmem>> -> memref<1x128xi32, #tpu.memory_space<vmem>>
      %dma_start3A_74 = tpu.memref_squeeze %dma_start3A_73 : memref<1x128xi32, #tpu.memory_space<vmem>> -> memref<128xi32, #tpu.memory_space<vmem>>
      %dma_start3A_75 = arith.constant 0 : i32
      %dma_start3A_76 = arith.constant 0 : i32
      %dma_start3A_77 = tpu.memref_slice %arg3[%dma_start3A_75, %dma_start3A_76] : memref<100000x128xf32, #tpu.memory_space<hbm>> -> memref<100000x128xf32, #tpu.memory_space<hbm>>
      tpu.enqueue_indirect_dma source(%dma_start3A_77 : memref<100000x128xf32, #tpu.memory_space<hbm>>) target(%dma_start3A_71 : memref<128x128xf32, #tpu.memory_space<vmem>>) offsets(%dma_start3A_74 : memref<128xi32, #tpu.memory_space<vmem>>) semaphore(%arg10 : memref<!tpu.dma_semaphore, #tpu.memory_space<semaphore_mem>>)
      %mul3A_78 = arith.constant 128 : i32
      %mul3A_79 = arith.muli %add3A_51, %mul3A_78 : i32
      %add3A_80 = arith.addi %mul3A_2, %mul3A_79 : i32
      %rem3A = arith.constant 200 : i32
      %rem3A_81 = arith.remsi %add3A_80, %rem3A : i32
      %parallel_loop3A = arith.constant 0 : i32
      %parallel_loop3A_82 = arith.constant 128 : i32
      %parallel_loop3A_83 = arith.constant 1 : i32
      scf.for %parallel_loop3A_147 = %parallel_loop3A to %parallel_loop3A_82 step %parallel_loop3A_83  : i32 {
        %parallel_loop3A_148 = arith.addi %rem3A_81, %parallel_loop3A_147 : i32
        %parallel_loop3A_149 = arith.index_cast %parallel_loop3A_148 : i32 to index
        %parallel_loop3A_150 = arith.constant 0 : index
        %parallel_loop3A_151 = tpu.vector_load %arg7[%parallel_loop3A_149, %parallel_loop3A_150] {strides = array<i32>} : memref<400x128xf32, #tpu.memory_space<vmem>>, vector<1x16xf32>,
        %parallel_loop3A_152 = vector.shape_cast %parallel_loop3A_151 : vector<1x16xf32> to vector<16xf32>
        %parallel_loop3A_153 = arith.constant 0 : i32
        %parallel_loop3A_154 = arith.index_cast %parallel_loop3A_153 : i32 to index
        %parallel_loop3A_155 = arith.index_cast %parallel_loop3A_147 : i32 to index
        %parallel_loop3A_156 = arith.constant 0 : index
        %parallel_loop3A_157 = tpu.vector_load %arg8[%parallel_loop3A_154, %parallel_loop3A_155, %parallel_loop3A_156] {strides = array<i32>} : memref<2x128x128xf32, #tpu.memory_space<vmem>>, vector<1x1x16xf32>,
        %parallel_loop3A_158 = vector.shape_cast %parallel_loop3A_157 : vector<1x1x16xf32> to vector<16xf32>
        %parallel_loop3A_159 = vector.shape_cast %parallel_loop3A_152 : vector<16xf32> to vector<1x1x16xf32>
        tpu.vector_store %arg8[%parallel_loop3A_154, %parallel_loop3A_155, %parallel_loop3A_156], %parallel_loop3A_159 {add = true, strides = array<i32>} : memref<2x128x128xf32, #tpu.memory_space<vmem>>, vector<1x1x16xf32>,
        %parallel_loop3A_160 = arith.index_cast %parallel_loop3A_148 : i32 to index
        %parallel_loop3A_161 = arith.constant 16 : index
        %parallel_loop3A_162 = tpu.vector_load %arg7[%parallel_loop3A_160, %parallel_loop3A_161] {strides = array<i32>} : memref<400x128xf32, #tpu.memory_space<vmem>>, vector<1x16xf32>,
        %parallel_loop3A_163 = vector.shape_cast %parallel_loop3A_162 : vector<1x16xf32> to vector<16xf32>
        %parallel_loop3A_164 = arith.constant 0 : i32
        %parallel_loop3A_165 = arith.index_cast %parallel_loop3A_164 : i32 to index
        %parallel_loop3A_166 = arith.index_cast %parallel_loop3A_147 : i32 to index
        %parallel_loop3A_167 = arith.constant 16 : index
        %parallel_loop3A_168 = tpu.vector_load %arg8[%parallel_loop3A_165, %parallel_loop3A_166, %parallel_loop3A_167] {strides = array<i32>} : memref<2x128x128xf32, #tpu.memory_space<vmem>>, vector<1x1x16xf32>,
        %parallel_loop3A_169 = vector.shape_cast %parallel_loop3A_168 : vector<1x1x16xf32> to vector<16xf32>
        %parallel_loop3A_170 = vector.shape_cast %parallel_loop3A_163 : vector<16xf32> to vector<1x1x16xf32>
        tpu.vector_store %arg8[%parallel_loop3A_165, %parallel_loop3A_166, %parallel_loop3A_167], %parallel_loop3A_170 {add = true, strides = array<i32>} : memref<2x128x128xf32, #tpu.memory_space<vmem>>, vector<1x1x16xf32>,
        %parallel_loop3A_171 = arith.index_cast %parallel_loop3A_148 : i32 to index
        %parallel_loop3A_172 = arith.constant 32 : index
        %parallel_loop3A_173 = tpu.vector_load %arg7[%parallel_loop3A_171, %parallel_loop3A_172] {strides = array<i32>} : memref<400x128xf32, #tpu.memory_space<vmem>>, vector<1x16xf32>,
        %parallel_loop3A_174 = vector.shape_cast %parallel_loop3A_173 : vector<1x16xf32> to vector<16xf32>
        %parallel_loop3A_175 = arith.constant 0 : i32
        %parallel_loop3A_176 = arith.index_cast %parallel_loop3A_175 : i32 to index
        %parallel_loop3A_177 = arith.index_cast %parallel_loop3A_147 : i32 to index
        %parallel_loop3A_178 = arith.constant 32 : index
        %parallel_loop3A_179 = tpu.vector_load %arg8[%parallel_loop3A_176, %parallel_loop3A_177, %parallel_loop3A_178] {strides = array<i32>} : memref<2x128x128xf32, #tpu.memory_space<vmem>>, vector<1x1x16xf32>,
        %parallel_loop3A_180 = vector.shape_cast %parallel_loop3A_179 : vector<1x1x16xf32> to vector<16xf32>
        %parallel_loop3A_181 = vector.shape_cast %parallel_loop3A_174 : vector<16xf32> to vector<1x1x16xf32>
        tpu.vector_store %arg8[%parallel_loop3A_176, %parallel_loop3A_177, %parallel_loop3A_178], %parallel_loop3A_181 {add = true, strides = array<i32>} : memref<2x128x128xf32, #tpu.memory_space<vmem>>, vector<1x1x16xf32>,
        %parallel_loop3A_182 = arith.index_cast %parallel_loop3A_148 : i32 to index
        %parallel_loop3A_183 = arith.constant 48 : index
        %parallel_loop3A_184 = tpu.vector_load %arg7[%parallel_loop3A_182, %parallel_loop3A_183] {strides = array<i32>} : memref<400x128xf32, #tpu.memory_space<vmem>>, vector<1x16xf32>,
        %parallel_loop3A_185 = vector.shape_cast %parallel_loop3A_184 : vector<1x16xf32> to vector<16xf32>
        %parallel_loop3A_186 = arith.constant 0 : i32
        %parallel_loop3A_187 = arith.index_cast %parallel_loop3A_186 : i32 to index
        %parallel_loop3A_188 = arith.index_cast %parallel_loop3A_147 : i32 to index
        %parallel_loop3A_189 = arith.constant 48 : index
        %parallel_loop3A_190 = tpu.vector_load %arg8[%parallel_loop3A_187, %parallel_loop3A_188, %parallel_loop3A_189] {strides = array<i32>} : memref<2x128x128xf32, #tpu.memory_space<vmem>>, vector<1x1x16xf32>,
        %parallel_loop3A_191 = vector.shape_cast %parallel_loop3A_190 : vector<1x1x16xf32> to vector<16xf32>
        %parallel_loop3A_192 = vector.shape_cast %parallel_loop3A_185 : vector<16xf32> to vector<1x1x16xf32>
        tpu.vector_store %arg8[%parallel_loop3A_187, %parallel_loop3A_188, %parallel_loop3A_189], %parallel_loop3A_192 {add = true, strides = array<i32>} : memref<2x128x128xf32, #tpu.memory_space<vmem>>, vector<1x1x16xf32>,
        %parallel_loop3A_193 = arith.index_cast %parallel_loop3A_148 : i32 to index
        %parallel_loop3A_194 = arith.constant 64 : index
        %parallel_loop3A_195 = tpu.vector_load %arg7[%parallel_loop3A_193, %parallel_loop3A_194] {strides = array<i32>} : memref<400x128xf32, #tpu.memory_space<vmem>>, vector<1x16xf32>,
        %parallel_loop3A_196 = vector.shape_cast %parallel_loop3A_195 : vector<1x16xf32> to vector<16xf32>
        %parallel_loop3A_197 = arith.constant 0 : i32
        %parallel_loop3A_198 = arith.index_cast %parallel_loop3A_197 : i32 to index
        %parallel_loop3A_199 = arith.index_cast %parallel_loop3A_147 : i32 to index
        %parallel_loop3A_200 = arith.constant 64 : index
        %parallel_loop3A_201 = tpu.vector_load %arg8[%parallel_loop3A_198, %parallel_loop3A_199, %parallel_loop3A_200] {strides = array<i32>} : memref<2x128x128xf32, #tpu.memory_space<vmem>>, vector<1x1x16xf32>,
        %parallel_loop3A_202 = vector.shape_cast %parallel_loop3A_201 : vector<1x1x16xf32> to vector<16xf32>
        %parallel_loop3A_203 = vector.shape_cast %parallel_loop3A_196 : vector<16xf32> to vector<1x1x16xf32>
        tpu.vector_store %arg8[%parallel_loop3A_198, %parallel_loop3A_199, %parallel_loop3A_200], %parallel_loop3A_203 {add = true, strides = array<i32>} : memref<2x128x128xf32, #tpu.memory_space<vmem>>, vector<1x1x16xf32>,
        %parallel_loop3A_204 = arith.index_cast %parallel_loop3A_148 : i32 to index
        %parallel_loop3A_205 = arith.constant 80 : index
        %parallel_loop3A_206 = tpu.vector_load %arg7[%parallel_loop3A_204, %parallel_loop3A_205] {strides = array<i32>} : memref<400x128xf32, #tpu.memory_space<vmem>>, vector<1x16xf32>,
        %parallel_loop3A_207 = vector.shape_cast %parallel_loop3A_206 : vector<1x16xf32> to vector<16xf32>
        %parallel_loop3A_208 = arith.constant 0 : i32
        %parallel_loop3A_209 = arith.index_cast %parallel_loop3A_208 : i32 to index
        %parallel_loop3A_210 = arith.index_cast %parallel_loop3A_147 : i32 to index
        %parallel_loop3A_211 = arith.constant 80 : index
        %parallel_loop3A_212 = tpu.vector_load %arg8[%parallel_loop3A_209, %parallel_loop3A_210, %parallel_loop3A_211] {strides = array<i32>} : memref<2x128x128xf32, #tpu.memory_space<vmem>>, vector<1x1x16xf32>,
        %parallel_loop3A_213 = vector.shape_cast %parallel_loop3A_212 : vector<1x1x16xf32> to vector<16xf32>
        %parallel_loop3A_214 = vector.shape_cast %parallel_loop3A_207 : vector<16xf32> to vector<1x1x16xf32>
        tpu.vector_store %arg8[%parallel_loop3A_209, %parallel_loop3A_210, %parallel_loop3A_211], %parallel_loop3A_214 {add = true, strides = array<i32>} : memref<2x128x128xf32, #tpu.memory_space<vmem>>, vector<1x1x16xf32>,
        %parallel_loop3A_215 = arith.index_cast %parallel_loop3A_148 : i32 to index
        %parallel_loop3A_216 = arith.constant 96 : index
        %parallel_loop3A_217 = tpu.vector_load %arg7[%parallel_loop3A_215, %parallel_loop3A_216] {strides = array<i32>} : memref<400x128xf32, #tpu.memory_space<vmem>>, vector<1x16xf32>,
        %parallel_loop3A_218 = vector.shape_cast %parallel_loop3A_217 : vector<1x16xf32> to vector<16xf32>
        %parallel_loop3A_219 = arith.constant 0 : i32
        %parallel_loop3A_220 = arith.index_cast %parallel_loop3A_219 : i32 to index
        %parallel_loop3A_221 = arith.index_cast %parallel_loop3A_147 : i32 to index
        %parallel_loop3A_222 = arith.constant 96 : index
        %parallel_loop3A_223 = tpu.vector_load %arg8[%parallel_loop3A_220, %parallel_loop3A_221, %parallel_loop3A_222] {strides = array<i32>} : memref<2x128x128xf32, #tpu.memory_space<vmem>>, vector<1x1x16xf32>,
        %parallel_loop3A_224 = vector.shape_cast %parallel_loop3A_223 : vector<1x1x16xf32> to vector<16xf32>
        %parallel_loop3A_225 = vector.shape_cast %parallel_loop3A_218 : vector<16xf32> to vector<1x1x16xf32>
        tpu.vector_store %arg8[%parallel_loop3A_220, %parallel_loop3A_221, %parallel_loop3A_222], %parallel_loop3A_225 {add = true, strides = array<i32>} : memref<2x128x128xf32, #tpu.memory_space<vmem>>, vector<1x1x16xf32>,
        %parallel_loop3A_226 = arith.index_cast %parallel_loop3A_148 : i32 to index
        %parallel_loop3A_227 = arith.constant 112 : index
        %parallel_loop3A_228 = tpu.vector_load %arg7[%parallel_loop3A_226, %parallel_loop3A_227] {strides = array<i32>} : memref<400x128xf32, #tpu.memory_space<vmem>>, vector<1x16xf32>,
        %parallel_loop3A_229 = vector.shape_cast %parallel_loop3A_228 : vector<1x16xf32> to vector<16xf32>
        %parallel_loop3A_230 = arith.constant 0 : i32
        %parallel_loop3A_231 = arith.index_cast %parallel_loop3A_230 : i32 to index
        %parallel_loop3A_232 = arith.index_cast %parallel_loop3A_147 : i32 to index
        %parallel_loop3A_233 = arith.constant 112 : index
        %parallel_loop3A_234 = tpu.vector_load %arg8[%parallel_loop3A_231, %parallel_loop3A_232, %parallel_loop3A_233] {strides = array<i32>} : memref<2x128x128xf32, #tpu.memory_space<vmem>>, vector<1x1x16xf32>,
        %parallel_loop3A_235 = vector.shape_cast %parallel_loop3A_234 : vector<1x1x16xf32> to vector<16xf32>
        %parallel_loop3A_236 = vector.shape_cast %parallel_loop3A_229 : vector<16xf32> to vector<1x1x16xf32>
        tpu.vector_store %arg8[%parallel_loop3A_231, %parallel_loop3A_232, %parallel_loop3A_233], %parallel_loop3A_236 {add = true, strides = array<i32>} : memref<2x128x128xf32, #tpu.memory_space<vmem>>, vector<1x1x16xf32>,
      } {sc.loop_unroll_factor = 4 : i64, sc.parallel_access}
      %mul3A_84 = arith.constant 128 : i32
      %mul3A_85 = arith.muli %add3A_51, %mul3A_84 : i32
      %add3A_86 = arith.addi %mul3A_2, %mul3A_85 : i32
      %dma_start3A_87 = arith.constant 0 : i32
      %dma_start3A_88 = arith.constant 0 : i32
      %dma_start3A_89 = arith.constant 0 : i32
      %dma_start3A_90 = tpu.memref_slice %arg8[%dma_start3A_87, %dma_start3A_88, %dma_start3A_89] : memref<2x128x128xf32, #tpu.memory_space<vmem>> -> memref<1x128x128xf32, #tpu.memory_space<vmem>>
      %dma_start3A_91 = tpu.memref_squeeze %dma_start3A_90 : memref<1x128x128xf32, #tpu.memory_space<vmem>> -> memref<128x128xf32, #tpu.memory_space<vmem>>
      %dma_start3A_92 = arith.constant 0 : i32
      %dma_start3A_93 = tpu.memref_slice %arg5[%add3A_86, %dma_start3A_92] : memref<819200x128xf32, #tpu.memory_space<hbm>> -> memref<128x128xf32, #tpu.memory_space<hbm>>
      %dma_start3A_94 = arith.constant 0 : i32
      %dma_start3A_95 = tpu.memref_slice %arg5[%add3A_86, %dma_start3A_94] : memref<819200x128xf32, #tpu.memory_space<hbm>> -> memref<128x128xf32, #tpu.memory_space<hbm>>
      %dma_start3A_96 = arith.constant 0 : i32
      %dma_start3A_97 = arith.constant 0 : i32
      %dma_start3A_98 = tpu.memref_slice %arg8[%dma_start3A_87, %dma_start3A_96, %dma_start3A_97] : memref<2x128x128xf32, #tpu.memory_space<vmem>> -> memref<1x128x128xf32, #tpu.memory_space<vmem>>
      %dma_start3A_99 = tpu.memref_squeeze %dma_start3A_98 : memref<1x128x128xf32, #tpu.memory_space<vmem>> -> memref<128x128xf32, #tpu.memory_space<vmem>>
      tpu.enqueue_dma source(%dma_start3A_99 : memref<128x128xf32, #tpu.memory_space<vmem>>) target(%dma_start3A_95 : memref<128x128xf32, #tpu.memory_space<hbm>>) target_semaphore(%arg11 : memref<!tpu.dma_semaphore, #tpu.memory_space<semaphore_mem>>)
      %add3A_100 = arith.constant 1 : i32
      %add3A_101 = arith.addi %add3A_51, %add3A_100 : i32
      %dma_wait3A_102 = arith.constant 1 : i32
      %dma_wait3A_103 = arith.constant 0 : i32
      %dma_wait3A_104 = arith.constant 0 : i32
      %dma_wait3A_105 = tpu.memref_slice %arg8[%dma_wait3A_102, %dma_wait3A_103, %dma_wait3A_104] : memref<2x128x128xf32, #tpu.memory_space<vmem>> -> memref<1x128x128xf32, #tpu.memory_space<vmem>>
      %dma_wait3A_106 = tpu.memref_squeeze %dma_wait3A_105 : memref<1x128x128xf32, #tpu.memory_space<vmem>> -> memref<128x128xf32, #tpu.memory_space<vmem>>
      %dma_wait3A_107 = arith.constant 0 : i32
      %dma_wait3A_108 = tpu.memref_slice %arg6[%add3A_101, %dma_wait3A_107] : memref<200x128xi32, #tpu.memory_space<vmem>> -> memref<1x128xi32, #tpu.memory_space<vmem>>
      %dma_wait3A_109 = tpu.memref_squeeze %dma_wait3A_108 : memref<1x128xi32, #tpu.memory_space<vmem>> -> memref<128xi32, #tpu.memory_space<vmem>>
      %dma_wait3A_110 = arith.constant 0 : i32
      %dma_wait3A_111 = arith.constant 0 : i32
      %dma_wait3A_112 = tpu.memref_slice %arg3[%dma_wait3A_110, %dma_wait3A_111] : memref<100000x128xf32, #tpu.memory_space<hbm>> -> memref<100000x128xf32, #tpu.memory_space<hbm>>
      tpu.wait_indirect_dma semaphore(%arg10 : memref<!tpu.dma_semaphore, #tpu.memory_space<semaphore_mem>>) src(%dma_wait3A_112 : memref<100000x128xf32, #tpu.memory_space<hbm>>) dst(%dma_wait3A_106 : memref<128x128xf32, #tpu.memory_space<vmem>>)
      %add3A_113 = arith.constant 2 : i32
      %add3A_114 = arith.addi %add3A_51, %add3A_113 : i32
      %lt3A = arith.constant 200 : i32
      %lt3A_115 = arith.cmpi slt, %add3A_114, %lt3A : i32
      %convert_element_type3A_116 = arith.extui %lt3A_115 : i1 to i32
      %cond3A_117 = arith.constant 0 : i32
      %cond3A_118 = arith.cmpi ne, %convert_element_type3A_116, %cond3A_117 : i32
      scf.if %cond3A_118 {
        %mul3A_147 = arith.constant 128 : i32
        %mul3A_148 = arith.muli %add3A_51, %mul3A_147 : i32
        %add3A_149 = arith.addi %mul3A_2, %mul3A_148 : i32
        %dma_wait3A_150 = arith.constant 0 : i32
        %dma_wait3A_151 = arith.constant 0 : i32
        %dma_wait3A_152 = arith.constant 0 : i32
        %dma_wait3A_153 = tpu.memref_slice %arg8[%dma_wait3A_150, %dma_wait3A_151, %dma_wait3A_152] : memref<2x128x128xf32, #tpu.memory_space<vmem>> -> memref<1x128x128xf32, #tpu.memory_space<vmem>>
        %dma_wait3A_154 = tpu.memref_squeeze %dma_wait3A_153 : memref<1x128x128xf32, #tpu.memory_space<vmem>> -> memref<128x128xf32, #tpu.memory_space<vmem>>
        %dma_wait3A_155 = arith.constant 0 : i32
        %dma_wait3A_156 = tpu.memref_slice %arg5[%add3A_149, %dma_wait3A_155] : memref<819200x128xf32, #tpu.memory_space<hbm>> -> memref<128x128xf32, #tpu.memory_space<hbm>>
        %dma_wait3A_157 = arith.constant 0 : i32
        %dma_wait3A_158 = tpu.memref_slice %arg5[%add3A_149, %dma_wait3A_157] : memref<819200x128xf32, #tpu.memory_space<hbm>> -> memref<128x128xf32, #tpu.memory_space<hbm>>
        %dma_wait3A_159 = arith.constant 0 : i32
        %dma_wait3A_160 = arith.constant 0 : i32
        %dma_wait3A_161 = tpu.memref_slice %arg8[%dma_wait3A_150, %dma_wait3A_159, %dma_wait3A_160] : memref<2x128x128xf32, #tpu.memory_space<vmem>> -> memref<1x128x128xf32, #tpu.memory_space<vmem>>
        %dma_wait3A_162 = tpu.memref_squeeze %dma_wait3A_161 : memref<1x128x128xf32, #tpu.memory_space<vmem>> -> memref<128x128xf32, #tpu.memory_space<vmem>>
        tpu.wait_dma2 semaphore(%arg11 : memref<!tpu.dma_semaphore, #tpu.memory_space<semaphore_mem>>) src(%dma_wait3A_162 : memref<128x128xf32, #tpu.memory_space<vmem>>) dst(%dma_wait3A_158 : memref<128x128xf32, #tpu.memory_space<hbm>>)
        %add3A_163 = arith.constant 2 : i32
        %add3A_164 = arith.addi %add3A_51, %add3A_163 : i32
        %dma_start3A_165 = arith.constant 0 : i32
        %dma_start3A_166 = arith.constant 0 : i32
        %dma_start3A_167 = arith.constant 0 : i32
        %dma_start3A_168 = tpu.memref_slice %arg8[%dma_start3A_165, %dma_start3A_166, %dma_start3A_167] : memref<2x128x128xf32, #tpu.memory_space<vmem>> -> memref<1x128x128xf32, #tpu.memory_space<vmem>>
        %dma_start3A_169 = tpu.memref_squeeze %dma_start3A_168 : memref<1x128x128xf32, #tpu.memory_space<vmem>> -> memref<128x128xf32, #tpu.memory_space<vmem>>
        %dma_start3A_170 = arith.constant 0 : i32
        %dma_start3A_171 = tpu.memref_slice %arg6[%add3A_164, %dma_start3A_170] : memref<200x128xi32, #tpu.memory_space<vmem>> -> memref<1x128xi32, #tpu.memory_space<vmem>>
        %dma_start3A_172 = tpu.memref_squeeze %dma_start3A_171 : memref<1x128xi32, #tpu.memory_space<vmem>> -> memref<128xi32, #tpu.memory_space<vmem>>
        %dma_start3A_173 = arith.constant 0 : i32
        %dma_start3A_174 = arith.constant 0 : i32
        %dma_start3A_175 = tpu.memref_slice %arg3[%dma_start3A_173, %dma_start3A_174] : memref<100000x128xf32, #tpu.memory_space<hbm>> -> memref<100000x128xf32, #tpu.memory_space<hbm>>
        tpu.enqueue_indirect_dma source(%dma_start3A_175 : memref<100000x128xf32, #tpu.memory_space<hbm>>) target(%dma_start3A_169 : memref<128x128xf32, #tpu.memory_space<vmem>>) offsets(%dma_start3A_172 : memref<128xi32, #tpu.memory_space<vmem>>) semaphore(%arg9 : memref<!tpu.dma_semaphore, #tpu.memory_space<semaphore_mem>>)
      } else {
      }
      %add3A_119 = arith.constant 1 : i32
      %add3A_120 = arith.addi %add3A_51, %add3A_119 : i32
      %mul3A_121 = arith.constant 128 : i32
      %mul3A_122 = arith.muli %add3A_120, %mul3A_121 : i32
      %add3A_123 = arith.addi %mul3A_2, %mul3A_122 : i32
      %rem3A_124 = arith.constant 200 : i32
      %rem3A_125 = arith.remsi %add3A_123, %rem3A_124 : i32
      %parallel_loop3A_126 = arith.constant 0 : i32
      %parallel_loop3A_127 = arith.constant 128 : i32
      %parallel_loop3A_128 = arith.constant 1 : i32
      scf.for %parallel_loop3A_147 = %parallel_loop3A_126 to %parallel_loop3A_127 step %parallel_loop3A_128  : i32 {
        %parallel_loop3A_148 = arith.addi %rem3A_125, %parallel_loop3A_147 : i32
        %parallel_loop3A_149 = arith.index_cast %parallel_loop3A_148 : i32 to index
        %parallel_loop3A_150 = arith.constant 0 : index
        %parallel_loop3A_151 = tpu.vector_load %arg7[%parallel_loop3A_149, %parallel_loop3A_150] {strides = array<i32>} : memref<400x128xf32, #tpu.memory_space<vmem>>, vector<1x16xf32>,
        %parallel_loop3A_152 = vector.shape_cast %parallel_loop3A_151 : vector<1x16xf32> to vector<16xf32>
        %parallel_loop3A_153 = arith.constant 1 : i32
        %parallel_loop3A_154 = arith.index_cast %parallel_loop3A_153 : i32 to index
        %parallel_loop3A_155 = arith.index_cast %parallel_loop3A_147 : i32 to index
        %parallel_loop3A_156 = arith.constant 0 : index
        %parallel_loop3A_157 = tpu.vector_load %arg8[%parallel_loop3A_154, %parallel_loop3A_155, %parallel_loop3A_156] {strides = array<i32>} : memref<2x128x128xf32, #tpu.memory_space<vmem>>, vector<1x1x16xf32>,
        %parallel_loop3A_158 = vector.shape_cast %parallel_loop3A_157 : vector<1x1x16xf32> to vector<16xf32>
        %parallel_loop3A_159 = vector.shape_cast %parallel_loop3A_152 : vector<16xf32> to vector<1x1x16xf32>
        tpu.vector_store %arg8[%parallel_loop3A_154, %parallel_loop3A_155, %parallel_loop3A_156], %parallel_loop3A_159 {add = true, strides = array<i32>} : memref<2x128x128xf32, #tpu.memory_space<vmem>>, vector<1x1x16xf32>,
        %parallel_loop3A_160 = arith.index_cast %parallel_loop3A_148 : i32 to index
        %parallel_loop3A_161 = arith.constant 16 : index
        %parallel_loop3A_162 = tpu.vector_load %arg7[%parallel_loop3A_160, %parallel_loop3A_161] {strides = array<i32>} : memref<400x128xf32, #tpu.memory_space<vmem>>, vector<1x16xf32>,
        %parallel_loop3A_163 = vector.shape_cast %parallel_loop3A_162 : vector<1x16xf32> to vector<16xf32>
        %parallel_loop3A_164 = arith.constant 1 : i32
        %parallel_loop3A_165 = arith.index_cast %parallel_loop3A_164 : i32 to index
        %parallel_loop3A_166 = arith.index_cast %parallel_loop3A_147 : i32 to index
        %parallel_loop3A_167 = arith.constant 16 : index
        %parallel_loop3A_168 = tpu.vector_load %arg8[%parallel_loop3A_165, %parallel_loop3A_166, %parallel_loop3A_167] {strides = array<i32>} : memref<2x128x128xf32, #tpu.memory_space<vmem>>, vector<1x1x16xf32>,
        %parallel_loop3A_169 = vector.shape_cast %parallel_loop3A_168 : vector<1x1x16xf32> to vector<16xf32>
        %parallel_loop3A_170 = vector.shape_cast %parallel_loop3A_163 : vector<16xf32> to vector<1x1x16xf32>
        tpu.vector_store %arg8[%parallel_loop3A_165, %parallel_loop3A_166, %parallel_loop3A_167], %parallel_loop3A_170 {add = true, strides = array<i32>} : memref<2x128x128xf32, #tpu.memory_space<vmem>>, vector<1x1x16xf32>,
        %parallel_loop3A_171 = arith.index_cast %parallel_loop3A_148 : i32 to index
        %parallel_loop3A_172 = arith.constant 32 : index
        %parallel_loop3A_173 = tpu.vector_load %arg7[%parallel_loop3A_171, %parallel_loop3A_172] {strides = array<i32>} : memref<400x128xf32, #tpu.memory_space<vmem>>, vector<1x16xf32>,
        %parallel_loop3A_174 = vector.shape_cast %parallel_loop3A_173 : vector<1x16xf32> to vector<16xf32>
        %parallel_loop3A_175 = arith.constant 1 : i32
        %parallel_loop3A_176 = arith.index_cast %parallel_loop3A_175 : i32 to index
        %parallel_loop3A_177 = arith.index_cast %parallel_loop3A_147 : i32 to index
        %parallel_loop3A_178 = arith.constant 32 : index
        %parallel_loop3A_179 = tpu.vector_load %arg8[%parallel_loop3A_176, %parallel_loop3A_177, %parallel_loop3A_178] {strides = array<i32>} : memref<2x128x128xf32, #tpu.memory_space<vmem>>, vector<1x1x16xf32>,
        %parallel_loop3A_180 = vector.shape_cast %parallel_loop3A_179 : vector<1x1x16xf32> to vector<16xf32>
        %parallel_loop3A_181 = vector.shape_cast %parallel_loop3A_174 : vector<16xf32> to vector<1x1x16xf32>
        tpu.vector_store %arg8[%parallel_loop3A_176, %parallel_loop3A_177, %parallel_loop3A_178], %parallel_loop3A_181 {add = true, strides = array<i32>} : memref<2x128x128xf32, #tpu.memory_space<vmem>>, vector<1x1x16xf32>,
        %parallel_loop3A_182 = arith.index_cast %parallel_loop3A_148 : i32 to index
        %parallel_loop3A_183 = arith.constant 48 : index
        %parallel_loop3A_184 = tpu.vector_load %arg7[%parallel_loop3A_182, %parallel_loop3A_183] {strides = array<i32>} : memref<400x128xf32, #tpu.memory_space<vmem>>, vector<1x16xf32>,
        %parallel_loop3A_185 = vector.shape_cast %parallel_loop3A_184 : vector<1x16xf32> to vector<16xf32>
        %parallel_loop3A_186 = arith.constant 1 : i32
        %parallel_loop3A_187 = arith.index_cast %parallel_loop3A_186 : i32 to index
        %parallel_loop3A_188 = arith.index_cast %parallel_loop3A_147 : i32 to index
        %parallel_loop3A_189 = arith.constant 48 : index
        %parallel_loop3A_190 = tpu.vector_load %arg8[%parallel_loop3A_187, %parallel_loop3A_188, %parallel_loop3A_189] {strides = array<i32>} : memref<2x128x128xf32, #tpu.memory_space<vmem>>, vector<1x1x16xf32>,
        %parallel_loop3A_191 = vector.shape_cast %parallel_loop3A_190 : vector<1x1x16xf32> to vector<16xf32>
        %parallel_loop3A_192 = vector.shape_cast %parallel_loop3A_185 : vector<16xf32> to vector<1x1x16xf32>
        tpu.vector_store %arg8[%parallel_loop3A_187, %parallel_loop3A_188, %parallel_loop3A_189], %parallel_loop3A_192 {add = true, strides = array<i32>} : memref<2x128x128xf32, #tpu.memory_space<vmem>>, vector<1x1x16xf32>,
        %parallel_loop3A_193 = arith.index_cast %parallel_loop3A_148 : i32 to index
        %parallel_loop3A_194 = arith.constant 64 : index
        %parallel_loop3A_195 = tpu.vector_load %arg7[%parallel_loop3A_193, %parallel_loop3A_194] {strides = array<i32>} : memref<400x128xf32, #tpu.memory_space<vmem>>, vector<1x16xf32>,
        %parallel_loop3A_196 = vector.shape_cast %parallel_loop3A_195 : vector<1x16xf32> to vector<16xf32>
        %parallel_loop3A_197 = arith.constant 1 : i32
        %parallel_loop3A_198 = arith.index_cast %parallel_loop3A_197 : i32 to index
        %parallel_loop3A_199 = arith.index_cast %parallel_loop3A_147 : i32 to index
        %parallel_loop3A_200 = arith.constant 64 : index
        %parallel_loop3A_201 = tpu.vector_load %arg8[%parallel_loop3A_198, %parallel_loop3A_199, %parallel_loop3A_200] {strides = array<i32>} : memref<2x128x128xf32, #tpu.memory_space<vmem>>, vector<1x1x16xf32>,
        %parallel_loop3A_202 = vector.shape_cast %parallel_loop3A_201 : vector<1x1x16xf32> to vector<16xf32>
        %parallel_loop3A_203 = vector.shape_cast %parallel_loop3A_196 : vector<16xf32> to vector<1x1x16xf32>
        tpu.vector_store %arg8[%parallel_loop3A_198, %parallel_loop3A_199, %parallel_loop3A_200], %parallel_loop3A_203 {add = true, strides = array<i32>} : memref<2x128x128xf32, #tpu.memory_space<vmem>>, vector<1x1x16xf32>,
        %parallel_loop3A_204 = arith.index_cast %parallel_loop3A_148 : i32 to index
        %parallel_loop3A_205 = arith.constant 80 : index
        %parallel_loop3A_206 = tpu.vector_load %arg7[%parallel_loop3A_204, %parallel_loop3A_205] {strides = array<i32>} : memref<400x128xf32, #tpu.memory_space<vmem>>, vector<1x16xf32>,
        %parallel_loop3A_207 = vector.shape_cast %parallel_loop3A_206 : vector<1x16xf32> to vector<16xf32>
        %parallel_loop3A_208 = arith.constant 1 : i32
        %parallel_loop3A_209 = arith.index_cast %parallel_loop3A_208 : i32 to index
        %parallel_loop3A_210 = arith.index_cast %parallel_loop3A_147 : i32 to index
        %parallel_loop3A_211 = arith.constant 80 : index
        %parallel_loop3A_212 = tpu.vector_load %arg8[%parallel_loop3A_209, %parallel_loop3A_210, %parallel_loop3A_211] {strides = array<i32>} : memref<2x128x128xf32, #tpu.memory_space<vmem>>, vector<1x1x16xf32>,
        %parallel_loop3A_213 = vector.shape_cast %parallel_loop3A_212 : vector<1x1x16xf32> to vector<16xf32>
        %parallel_loop3A_214 = vector.shape_cast %parallel_loop3A_207 : vector<16xf32> to vector<1x1x16xf32>
        tpu.vector_store %arg8[%parallel_loop3A_209, %parallel_loop3A_210, %parallel_loop3A_211], %parallel_loop3A_214 {add = true, strides = array<i32>} : memref<2x128x128xf32, #tpu.memory_space<vmem>>, vector<1x1x16xf32>,
        %parallel_loop3A_215 = arith.index_cast %parallel_loop3A_148 : i32 to index
        %parallel_loop3A_216 = arith.constant 96 : index
        %parallel_loop3A_217 = tpu.vector_load %arg7[%parallel_loop3A_215, %parallel_loop3A_216] {strides = array<i32>} : memref<400x128xf32, #tpu.memory_space<vmem>>, vector<1x16xf32>,
        %parallel_loop3A_218 = vector.shape_cast %parallel_loop3A_217 : vector<1x16xf32> to vector<16xf32>
        %parallel_loop3A_219 = arith.constant 1 : i32
        %parallel_loop3A_220 = arith.index_cast %parallel_loop3A_219 : i32 to index
        %parallel_loop3A_221 = arith.index_cast %parallel_loop3A_147 : i32 to index
        %parallel_loop3A_222 = arith.constant 96 : index
        %parallel_loop3A_223 = tpu.vector_load %arg8[%parallel_loop3A_220, %parallel_loop3A_221, %parallel_loop3A_222] {strides = array<i32>} : memref<2x128x128xf32, #tpu.memory_space<vmem>>, vector<1x1x16xf32>,
        %parallel_loop3A_224 = vector.shape_cast %parallel_loop3A_223 : vector<1x1x16xf32> to vector<16xf32>
        %parallel_loop3A_225 = vector.shape_cast %parallel_loop3A_218 : vector<16xf32> to vector<1x1x16xf32>
        tpu.vector_store %arg8[%parallel_loop3A_220, %parallel_loop3A_221, %parallel_loop3A_222], %parallel_loop3A_225 {add = true, strides = array<i32>} : memref<2x128x128xf32, #tpu.memory_space<vmem>>, vector<1x1x16xf32>,
        %parallel_loop3A_226 = arith.index_cast %parallel_loop3A_148 : i32 to index
        %parallel_loop3A_227 = arith.constant 112 : index
        %parallel_loop3A_228 = tpu.vector_load %arg7[%parallel_loop3A_226, %parallel_loop3A_227] {strides = array<i32>} : memref<400x128xf32, #tpu.memory_space<vmem>>, vector<1x16xf32>,
        %parallel_loop3A_229 = vector.shape_cast %parallel_loop3A_228 : vector<1x16xf32> to vector<16xf32>
        %parallel_loop3A_230 = arith.constant 1 : i32
        %parallel_loop3A_231 = arith.index_cast %parallel_loop3A_230 : i32 to index
        %parallel_loop3A_232 = arith.index_cast %parallel_loop3A_147 : i32 to index
        %parallel_loop3A_233 = arith.constant 112 : index
        %parallel_loop3A_234 = tpu.vector_load %arg8[%parallel_loop3A_231, %parallel_loop3A_232, %parallel_loop3A_233] {strides = array<i32>} : memref<2x128x128xf32, #tpu.memory_space<vmem>>, vector<1x1x16xf32>,
        %parallel_loop3A_235 = vector.shape_cast %parallel_loop3A_234 : vector<1x1x16xf32> to vector<16xf32>
        %parallel_loop3A_236 = vector.shape_cast %parallel_loop3A_229 : vector<16xf32> to vector<1x1x16xf32>
        tpu.vector_store %arg8[%parallel_loop3A_231, %parallel_loop3A_232, %parallel_loop3A_233], %parallel_loop3A_236 {add = true, strides = array<i32>} : memref<2x128x128xf32, #tpu.memory_space<vmem>>, vector<1x1x16xf32>,
      } {sc.loop_unroll_factor = 4 : i64, sc.parallel_access}
      %add3A_129 = arith.constant 1 : i32
      %add3A_130 = arith.addi %add3A_51, %add3A_129 : i32
      %mul3A_131 = arith.constant 128 : i32
      %mul3A_132 = arith.muli %add3A_130, %mul3A_131 : i32
      %add3A_133 = arith.addi %mul3A_2, %mul3A_132 : i32
      %dma_start3A_134 = arith.constant 1 : i32
      %dma_start3A_135 = arith.constant 0 : i32
      %dma_start3A_136 = arith.constant 0 : i32
      %dma_start3A_137 = tpu.memref_slice %arg8[%dma_start3A_134, %dma_start3A_135, %dma_start3A_136] : memref<2x128x128xf32, #tpu.memory_space<vmem>> -> memref<1x128x128xf32, #tpu.memory_space<vmem>>
      %dma_start3A_138 = tpu.memref_squeeze %dma_start3A_137 : memref<1x128x128xf32, #tpu.memory_space<vmem>> -> memref<128x128xf32, #tpu.memory_space<vmem>>
      %dma_start3A_139 = arith.constant 0 : i32
      %dma_start3A_140 = tpu.memref_slice %arg5[%add3A_133, %dma_start3A_139] : memref<819200x128xf32, #tpu.memory_space<hbm>> -> memref<128x128xf32, #tpu.memory_space<hbm>>
      %dma_start3A_141 = arith.constant 0 : i32
      %dma_start3A_142 = tpu.memref_slice %arg5[%add3A_133, %dma_start3A_141] : memref<819200x128xf32, #tpu.memory_space<hbm>> -> memref<128x128xf32, #tpu.memory_space<hbm>>
      %dma_start3A_143 = arith.constant 0 : i32
      %dma_start3A_144 = arith.constant 0 : i32
      %dma_start3A_145 = tpu.memref_slice %arg8[%dma_start3A_134, %dma_start3A_143, %dma_start3A_144] : memref<2x128x128xf32, #tpu.memory_space<vmem>> -> memref<1x128x128xf32, #tpu.memory_space<vmem>>
      %dma_start3A_146 = tpu.memref_squeeze %dma_start3A_145 : memref<1x128x128xf32, #tpu.memory_space<vmem>> -> memref<128x128xf32, #tpu.memory_space<vmem>>
      tpu.enqueue_dma source(%dma_start3A_146 : memref<128x128xf32, #tpu.memory_space<vmem>>) target(%dma_start3A_142 : memref<128x128xf32, #tpu.memory_space<hbm>>) target_semaphore(%arg12 : memref<!tpu.dma_semaphore, #tpu.memory_space<semaphore_mem>>)
    }
    %scan3A_17 = arith.constant 100 : i32
    %add3A_18 = arith.constant 25344 : i32
    %add3A_19 = arith.addi %mul3A_2, %add3A_18 : i32
    %dma_wait3A = arith.constant 0 : i32
    %dma_wait3A_20 = arith.constant 0 : i32
    %dma_wait3A_21 = arith.constant 0 : i32
    %dma_wait3A_22 = tpu.memref_slice %arg8[%dma_wait3A, %dma_wait3A_20, %dma_wait3A_21] : memref<2x128x128xf32, #tpu.memory_space<vmem>> -> memref<1x128x128xf32, #tpu.memory_space<vmem>>
    %dma_wait3A_23 = tpu.memref_squeeze %dma_wait3A_22 : memref<1x128x128xf32, #tpu.memory_space<vmem>> -> memref<128x128xf32, #tpu.memory_space<vmem>>
    %dma_wait3A_24 = arith.constant 0 : i32
    %dma_wait3A_25 = tpu.memref_slice %arg5[%add3A_19, %dma_wait3A_24] : memref<819200x128xf32, #tpu.memory_space<hbm>> -> memref<128x128xf32, #tpu.memory_space<hbm>>
    %dma_wait3A_26 = arith.constant 0 : i32
    %dma_wait3A_27 = tpu.memref_slice %arg5[%add3A_19, %dma_wait3A_26] : memref<819200x128xf32, #tpu.memory_space<hbm>> -> memref<128x128xf32, #tpu.memory_space<hbm>>
    %dma_wait3A_28 = arith.constant 0 : i32
    %dma_wait3A_29 = arith.constant 0 : i32
    %dma_wait3A_30 = tpu.memref_slice %arg8[%dma_wait3A, %dma_wait3A_28, %dma_wait3A_29] : memref<2x128x128xf32, #tpu.memory_space<vmem>> -> memref<1x128x128xf32, #tpu.memory_space<vmem>>
    %dma_wait3A_31 = tpu.memref_squeeze %dma_wait3A_30 : memref<1x128x128xf32, #tpu.memory_space<vmem>> -> memref<128x128xf32, #tpu.memory_space<vmem>>
    tpu.wait_dma2 semaphore(%arg11 : memref<!tpu.dma_semaphore, #tpu.memory_space<semaphore_mem>>) src(%dma_wait3A_31 : memref<128x128xf32, #tpu.memory_space<vmem>>) dst(%dma_wait3A_27 : memref<128x128xf32, #tpu.memory_space<hbm>>)
    %add3A_32 = arith.constant 25472 : i32
    %add3A_33 = arith.addi %mul3A_2, %add3A_32 : i32
    %dma_wait3A_34 = arith.constant 1 : i32
    %dma_wait3A_35 = arith.constant 0 : i32
    %dma_wait3A_36 = arith.constant 0 : i32
    %dma_wait3A_37 = tpu.memref_slice %arg8[%dma_wait3A_34, %dma_wait3A_35, %dma_wait3A_36] : memref<2x128x128xf32, #tpu.memory_space<vmem>> -> memref<1x128x128xf32, #tpu.memory_space<vmem>>
    %dma_wait3A_38 = tpu.memref_squeeze %dma_wait3A_37 : memref<1x128x128xf32, #tpu.memory_space<vmem>> -> memref<128x128xf32, #tpu.memory_space<vmem>>
    %dma_wait3A_39 = arith.constant 0 : i32
    %dma_wait3A_40 = tpu.memref_slice %arg5[%add3A_33, %dma_wait3A_39] : memref<819200x128xf32, #tpu.memory_space<hbm>> -> memref<128x128xf32, #tpu.memory_space<hbm>>
    %dma_wait3A_41 = arith.constant 0 : i32
    %dma_wait3A_42 = tpu.memref_slice %arg5[%add3A_33, %dma_wait3A_41] : memref<819200x128xf32, #tpu.memory_space<hbm>> -> memref<128x128xf32, #tpu.memory_space<hbm>>
    %dma_wait3A_43 = arith.constant 0 : i32
    %dma_wait3A_44 = arith.constant 0 : i32
    %dma_wait3A_45 = tpu.memref_slice %arg8[%dma_wait3A_34, %dma_wait3A_43, %dma_wait3A_44] : memref<2x128x128xf32, #tpu.memory_space<vmem>> -> memref<1x128x128xf32, #tpu.memory_space<vmem>>
    %dma_wait3A_46 = tpu.memref_squeeze %dma_wait3A_45 : memref<1x128x128xf32, #tpu.memory_space<vmem>> -> memref<128x128xf32, #tpu.memory_space<vmem>>
    tpu.wait_dma2 semaphore(%arg12 : memref<!tpu.dma_semaphore, #tpu.memory_space<semaphore_mem>>) src(%dma_wait3A_46 : memref<128x128xf32, #tpu.memory_space<vmem>>) dst(%dma_wait3A_42 : memref<128x128xf32, #tpu.memory_space<hbm>>)
    return
  }
}

</mosaic_0001>

<sc_bundles>
// kernel: _sc_embed.3.cloned.1.call-start
scs
__scs_entry_jumppad:
0x0: {  	(pc) =	sbr.rel $0x88, $3  }
0x1: {  	(tag) =	ssettag $0x0;
	lr =	simm.s32 $0x1  }
0x2: {  	[smem:$0x3F9E] =	sst lr;
	_ =	strace $0xD0000000  }
0x3: {  	_ = 	snop  }
0x4: {  	_ = 	snop  }
0x5: {  	_ = 	snop  }
0x6: {  	_ = 	snop  }
0x7: {  	_ = 	snop  }
__scs_overlays_trampoline_lowered:
0x8: {  	[smem:$0x3FAD] =	sst s0  }
0x9: {  	[smem:$0x3FAE] =	sst s1  }
0xa: {  	[smem:$0x3FAF] =	sst s2  }
0xb: {  	[smem:$0x3FB0] =	sst s3  }
0xc: {  	[smem:$0x3FB1] =	sst s4  }
0xd: {  	[smem:$0x3FB2] =	sst s5  }
0xe: {  	[smem:$0x3FB3] =	sst s6  }
0xf: {  	[smem:$0x3FB4] =	sst s7  }
0x10: {  	[smem:$0x3FB5] =	sst s8  }
0x11: {  	[smem:$0x3FB6] =	sst s9;
	s0 =	simm.s32 @!p0 $0x0  }
0x12: {  	s1 =	sld [smem:$0x3F9C];
	s0 =	simm.s32 @p0 $0x1  }
0x13: {  	[smem:$0x3FB7] =	sst s0;
	s0 =	simm.s32 @!p1 $0x0  }
0x14: {  	s2 =	sld [smem:$0x3F9B];
	s0 =	simm.s32 @p1 $0x1  }
0x15: {  	[smem:$0x3FB8] =	sst s0;
	s0 =	simm.s32 @!p2 $0x0  }
0x16: {  	s3 =	sld [smem:$0x3FDB];
	s0 =	simm.s32 @p2 $0x1  }
0x17: {  	s4 =	simm.s32 $0x1BF5;
	[smem:$0x3FBA] =	sst s0  }
0x18: {  	s0 =	sld [smem:$0x3F9D];
	_ =	swait.ge [sflag:s4], $0x0  }
0x19: {  	s7 =	sld [smem:$0x3F9E]  }
0x1a: {  	s8 =	sadd.s32 $0xFFFFE003, lr  }
0x1b: {  	s9 =	sadd.s32 $0xFFFFFEF7, lr;
	s5 =	simm.s32 $0xFFFFFFFF;
	p2 =	slt.u32 s8, $0xFFFFF086  }
0x1c: {  	p1 =	slt.u32 s9, $0xF7A;
	s5 =	simm.s32 @!p2 $0x0  }
0x1d: {  	s5 =	simm.s32 @p1 $0x1;
	p0 =	seq.s32 s7, s2  }
0x1e: {  	s7 =	smul.u32 @!p0 $0xF7A, s2;
	p2 =	seq.s32 @!p0 s5, $0x0  }
0x1f: {  	s9 =	smul.u32 $0xF7A, s1;
	s8 =	simm.s32 @!p0 $0x1BF5;
	p2 =	por !p2, p0  }
0x20: {  	[sflag:s8] =	ssyncset.s32 @!p0 $0xFFFFF086;
	s6 =	sadd.s32 @!p0 s3, s7;
	s7 =	simm.s32 @!p0 $0x108  }
0x21: {  	s3 =	sadd.s32 s3, s9;
	s6 =	sadd.s32 @!p0 $0x88, s6;
	s7 =	simm.s32 @p2 $0x1082  }
0x22: {  	[simem:s7], [sflag:s8] =	dma.local @!p0 [hbm:s6], $0xF7A  }
0x23: {  	s9 =	sor.u32 $0xD0000000, s2;
	s6 =	simm.s32 $0x108;
	_ =	swait.ge @!p0 [sflag:s8], $0x0  }
0x24: {  	s3 =	sadd.s32 $0x88, s3;
	s6 =	simm.s32 @!p1 $0x1082;
	[sflag:s4] =	ssyncset.s32 $0xFFFFF086  }
0x25: {  	[simem:s6], [sflag:s4] =	dma.local [hbm:s3], $0xF7A  }
0x26: {  	[smem:$0x3F9E] =	sst s1;
	(tag) =	ssettag s2;
	_ =	strace s9  }
0x27: {  	s1 =	sld [smem:$0x3FAE]  }
0x28: {  	s2 =	sld [smem:$0x3FAF]  }
0x29: {  	s4 =	sld [smem:$0x3FB1]  }
0x2a: {  	p0 =	seq.s32 s5, $0x0;
	s5 =	sld [smem:$0x3FB2]  }
0x2b: {  	s6 =	sld [smem:$0x3FB3]  }
0x2c: {  	s7 =	sld [smem:$0x3FB4]  }
0x2d: {  	s3 =	simm.s32 $0x108;
	s8 =	sld [smem:$0x3FB5]  }
0x2e: {  	s3 =	simm.s32 @!p0 $0x1082;
	s9 =	sld [smem:$0x3FB6]  }
0x2f: {  	lr =	sadd.s32 s0, s3;
	s0 =	sld [smem:$0x3FAD]  }
0x30: {  	s3 =	sld [smem:$0x3FB0]  }
0x31: {  	[smem:$0x3FB9] =	sst s10  }
0x32: {  	s10 =	sld [smem:$0x3FB7];
	_ =	sdelay $0x3  }
0x33: {  	p0 =	seq.s32 s10, $0x1;
	s10 =	sld [smem:$0x3FB9];
	_ =	sdelay $0x3  }
0x34: {  	[smem:$0x3FB9] =	sst s10  }
0x35: {  	s10 =	sld [smem:$0x3FB8];
	_ =	sdelay $0x3  }
0x36: {  	p1 =	seq.s32 s10, $0x1;
	s10 =	sld [smem:$0x3FB9];
	_ =	sdelay $0x3  }
0x37: {  	[smem:$0x3FB9] =	sst s10  }
0x38: {  	s10 =	sld [smem:$0x3FBA]  }
0x39: {  	_ = 	snop;
	(pc) =	sbr.ind lr, $3  }
0x3a: {  	_ = 	snop  }
0x3b: {  	_ = 	snop  }
0x3c: {  	p2 =	seq.s32 s10, $0x1;
	s10 =	sld [smem:$0x3FB9]  }
0x3d: {  	_ =	shalt  }
0x3e: {  	_ =	shalt  }
0x3f: {  	_ =	shalt  }
0x40: {  	_ =	shalt  }
0x41: {  	_ =	shalt  }
0x42: {  	_ =	shalt  }
0x43: {  	_ =	shalt  }
0x44: {  	_ =	shalt  }
0x45: {  	_ =	shalt  }
0x46: {  	_ =	shalt  }
0x47: {  	_ =	shalt  }
0x48: {  	_ =	shalt  }
0x49: {  	_ =	shalt  }
0x4a: {  	_ =	shalt  }
0x4b: {  	_ =	shalt  }
0x4c: {  	_ =	shalt  }
0x4d: {  	_ =	shalt  }
0x4e: {  	_ =	shalt  }
0x4f: {  	_ =	shalt  }
0x50: {  	_ =	shalt  }
0x51: {  	_ =	shalt  }
0x52: {  	_ =	shalt  }
0x53: {  	_ =	shalt  }
0x54: {  	_ =	shalt  }
0x55: {  	_ =	shalt  }
0x56: {  	_ =	shalt  }
0x57: {  	_ =	shalt  }
0x58: {  	_ =	shalt  }
0x59: {  	_ =	shalt  }
0x5a: {  	_ =	shalt  }
0x5b: {  	_ =	shalt  }
0x5c: {  	_ =	shalt  }
0x5d: {  	_ =	shalt  }
0x5e: {  	_ =	shalt  }
0x5f: {  	_ =	shalt  }
0x60: {  	_ =	shalt  }
0x61: {  	_ =	shalt  }
0x62: {  	_ =	shalt  }
0x63: {  	_ =	shalt  }
0x64: {  	_ =	shalt  }
0x65: {  	_ =	shalt  }
0x66: {  	_ =	shalt  }
0x67: {  	_ =	shalt  }
0x68: {  	_ =	shalt  }
0x69: {  	_ =	shalt  }
0x6a: {  	_ =	shalt  }
0x6b: {  	_ =	shalt  }
0x6c: {  	_ =	shalt  }
0x6d: {  	_ =	shalt  }
0x6e: {  	_ =	shalt  }
0x6f: {  	_ =	shalt  }
0x70: {  	_ =	shalt  }
0x71: {  	_ =	shalt  }
0x72: {  	_ =	shalt  }
0x73: {  	_ =	shalt  }
0x74: {  	_ =	shalt  }
0x75: {  	_ =	shalt  }
0x76: {  	_ =	shalt  }
0x77: {  	_ =	shalt  }
0x78: {  	_ =	shalt  }
0x79: {  	_ =	shalt  }
0x7a: {  	_ =	shalt  }
0x7b: {  	_ =	shalt  }
0x7c: {  	_ =	shalt  }
0x7d: {  	_ =	shalt  }
0x7e: {  	_ =	shalt  }
0x7f: {  	_ =	shalt  }
0x80: {  	_ =	shalt  }
0x81: {  	_ =	shalt  }
0x82: {  	_ =	shalt  }
0x83: {  	_ =	shalt  }
0x84: {  	_ =	shalt  }
0x85: {  	_ =	shalt  }
0x86: {  	_ =	shalt  }
0x87: {  	_ =	shalt  }
.Lfunc_end0:
.L_simem_size_0:
called_computation_lowered:
.L_overlay_start_0:
0x88: {  	s2 =	sld [smem:$0x3FD9]  }
0x89: {  	s3 =	sld [smem:$0x3FFE];
	_ =	sdelay $0x1  }
0x8a: {  	s1 =	srdreg.scid  }
0x8b: {  	s0 =	sand.u32 $0x1, s1  }
0x8c: {  	s18 =	sshll.u32 s0, $0xA;
	s2 =	sadd.s32 s3, s2  }
0x8d: {  	s2 =	sadd.s32 s2, s18  }
0x8e: {  	[smem:$0x3FC5] =	sst s2  }
0x8f: {  	_ = 	snop  }
0x90: {  	s2 =	sld [smem:$0x3FC9]  }
0x91: {  	s19 =	sld [smem:$0x3FC8]  }
0x92: {  	s4 =	sld [smem:$0x3FC7]  }
0x93: {  	s5 =	sld [smem:$0x3FD0];
	(tm) =	ssettm $0x1  }
0x94: {  	s6 =	sld [smem:$0x3FFB];
	_ =	sdelay $0x3  }
0x95: {  	_ =	strace s6  }
0x96: {  	s6 =	sld [smem:$0x3FFC];
	_ =	sdelay $0x3  }
0x97: {  	_ =	strace s6  }
0x98: {  	s6 =	sld [smem:$0x3FFD];
	_ =	sdelay $0x3  }
0x99: {  	_ =	strace s6  }
0x9a: {  	_ =	strace $0x8FFFFFFF  }
0x9b: {  	s20 =	sld [smem:$0x3FDB];
	_ =	sdelay $0x1  }
0x9c: {  	s7 =	simm.s32 $_scs_section_size  }
0x9d: {  	s8 =	simm.s32 $_size__tile_overlayer_lowered;
	s9 =	simm.s32 $_tile_overlayer_lowered  }
0x9e: {  	s23 =	simm.s32 $0x1BFF;
	s22 =	sshll.u32 s9, $0x1;
	s6 =	sadd.s32 s7, s20  }
0x9f: {  	s10 =	simm.s32 $0x0;
	s21 =	sshll.u32 s8, $0x1;
	s8 =	sadd.s32 s22, s6  }
0xa0: {  	[timem:s10], [sflag:s23] =	dma.local [hbm:s8], s21  }
0xa1: {  	_ =	swait.ge [sflag:s23], s21  }
0xa2: {  	s7 =	ssub.s32 $0x0, s21;
	[sflag:s23] =	ssyncset.done $0x0  }
0xa3: {  	[sflag:s23] =	ssyncadd.s32 s7;
	_ =	sdelay $0x1  }
0xa4: {  	s24 =	simm.s32 $0x1B8B  }
0xa5: {  	_ =	swait.ge [sflag:s24], $0x1  }
0xa6: {  	[sflag:s24] =	ssyncset.done $0x0  }
0xa7: {  	s25 =	simm.s32 $0x1B8E;
	[sflag:s24] =	ssyncadd.s32 $0xFFFFFFFF  }
0xa8: {  	s26 =	simm.s32 $execute0_lowered;
	[smem:$0x3FD2] =	sst s25  }
0xa9: {  	s7 =	sshll.u32 s26, $0x1;
	_ =	strace $0x80000046;
	[dreg:$0x1] =	wrdreg $0xFFFFFFFF  }
0xaa: {  	s28 =	simm.s32 $_size_execute0_lowered;
	s6 =	sadd.s32 s6, s7;
	[dreg:$0x0] =	wrdreg $0x0  }
0xab: {  	s7 =	sshll.u32 s28, $0x1;
	[dreg:$0x2] =	wrdreg s6  }
0xac: {  	[dreg:$0x3] =	wrdreg s7  }
0xad: {  	[dreg:$0x4] =	wrdreg $0xC0  }
0xae: {  	_ =	task [dreg:s10], $0x5FFFF  }
0xaf: {  	[dreg:$0x1] =	wrdreg $0xFFFFFFFF  }
0xb0: {  	[dreg:$0x0] =	wrdreg $0x60  }
0xb1: {  	[dreg:$0x2] =	wrdreg s2  }
0xb2: {  	[dreg:$0x3] =	wrdreg s19  }
0xb3: {  	[dreg:$0x4] =	wrdreg s4  }
0xb4: {  	[dreg:$0x5] =	wrdreg s5  }
0xb5: {  	[dreg:$0x6] =	wrdreg $0x9  }
0xb6: {  	_ =	task.clear_ibuf [dreg:s10], $0x7FFFF;
	_ =	strace $0x90000046  }
0xb7: {  	s29 =	simm.s32 $0x9;
	_ =	strace $0x80000048  }
0xb8: {  	_ =	swait.ge [sflag:s29], $0x1  }
0xb9: {  	[sflag:s29] =	ssyncadd.s32 $0xFFFFFFFF  }
0xba: {  	_ =	strace $0x90000048  }
0xbb: {  	_ =	sfence  }
0xbc: {  	s30 =	sld [smem:$0x0];
	_ =	sdelay $0x2  }
0xbd: {  	s31 =	sshll.u32 s1, $0xD;
	s1 =	sshrl.u32 s1, $0x2  }
0xbe: {  	s3 =	sand.u32 $0x4000, s31;
	s1 =	sadd.s32 s1, s30  }
0xbf: {  	s0 =	sor.u32 s3, s0;
	s1 =	sshll.u32 s1, $0x11  }
0xc0: {  	s0 =	sor.u32 s1, s0  }
0xc1: {  	s0 =	sadd.s32 $0x8F2B, s0  }
0xc2: {  	[sflag:s0] =	ssyncadd.remote.s32 $0x1  }
0xc3: {  	_ =	sfence.sel $0xFFFF  }
0xc4: {  	[dreg:$0x0] =	wrdreg $0xFFFFFFFF;
	(pc) =	sbr.abs _section_cstart, $3  }
0xc5: {  	[dreg:$0x1] =	wrdreg $0xFFFFFFFF  }
0xc6: {  	_ =	task.clear_ibuf [dreg:s10], $0x2FFFF;
	_ =	strace $0x9FFFFFFF  }
0xc7: {  	(tm) =	ssettm $0x7FFFFFFF  }
tec
execute0_lowered:
.L_overlay_start_1:
0x0: {  	(tag) =	ssettag $0x1  }
0x1: {  	s0 =	rddreg [dreg:$0x0]  }
0x2: {  	s1 =	rddreg [dreg:$0x1]  }
0x3: {  	s2 =	srdreg.scid;
	s10 =	stileid.u32  }
0x4: {  	s4 =	rddreg [dreg:$0x3];
	s5 =	simm.s32 $0x0;
	s13 =	simm.s32 $0x5  }
0x5: {  	s15 =	simm.s32 $0x80;
	s16 =	simm.s32 $0x12C00;
	s17 =	simm.s32 $0x1  }
0x6: {  	s18 =	simm.s32 $0x16C00;
	s19 =	simm.s32 $0x2;
	s20 =	simm.s32 $0x3  }
0x7: {  	s2 =	sand.u32 $0x1, s2;
	s3 =	sshll.u32 s10, $0x1;
	s7 =	smul.u32 $0x1900000, s10  }
0x8: {  	s21 =	simm.s32 $0x4;
	s10 =	smul.u32 $0xC800, s10;
	s3 =	sor.u32 s2, s3  }
0x9: {  	s22 =	simm.s32 $0x0;
	[smem:$0x7FF] =	sst s5;
	s6 =	smul.u32 $0x6400, s3  }
0xa: {  	s28 =	ssub.s32 $0x2, s2;
	_ =	strace $0x80000047;
	s9 =	smul.u32 $0xC80000, s2  }
0xb: {  	s2 =	smul.u32 $0x6400, s2;
	s8 =	sshrl.u32 s28, $0x1;
	s29 =	sshrl.u32 s6, $0x3  }
0xc: {  	s3 =	ssub.s32 s28, s8;
	s30 =	sadd.s32 s9, s7;
	s0 =	sadd.s32 s0, s29  }
0xd: {  	s10 =	sadd.s32 s2, s10;
	[dreg:$0x5] =	wrdreg s0;
	s0 =	sor.u32 $0x10000, s30  }
0xe: {  	s8 =	smax.u32 s3, $0x1;
	s31 =	sshrl.u32 s30, $0x2;
	s0 =	sshrl.u32 s0, $0x2  }
0xf: {  	s12 =	sor.u32 $0x80, s10;
	s9 =	sor.u32 $0x6400, s31;
	s11 =	sadd.s32 $0x6400, s0  }
.LBB2_1:
0x10: {  	s0 =	rddreg [dreg:$0x5]  }
0x11: {  	[tilespmem:s5], [sflag:$0x5] =	stream.linear.gather [hbm4b:s0+s5], $0x6400, $0x38;
	[tilespmem:$0x1AC00] =	vst v63  }
0x12: {  	_ =	swait.ge [sflag:s13], $0x6400  }
0x13: {  	[sflag:s13] =	ssyncset.done $0x0  }
0x14: {  	[sflag:s13] =	ssyncadd.s32 $0xFFFF9C00  }
0x15: {  	s2 =	simm.s32 $0x6400;
	s31 =	rddreg [dreg:$0x2]  }
0x16: {  	[tilespmem:s2], [sflag:$0x5] =	stream.linear.gather [hbm4b:s31+s5], $0xC800, $0x38;
	[tilespmem:$0x1AC00] =	vst v63  }
0x17: {  	s23 =	smov.u32 s12;
	_ =	swait.ge [sflag:s13], $0xC800  }
0x18: {  	s24 =	smov.u32 s11;
	s25 =	smov.u32 s10;
	[sflag:s13] =	ssyncset.done $0x0  }
0x19: {  	s26 =	smov.u32 s9;
	s28 =	simm.s32 $0x0;
	[sflag:s13] =	ssyncadd.s32 $0xFFFF3800  }
0x1a: {  	[tilespmem:s16], [sflag:$0x1] =	stream.indirect.gather [hbm4b:s1+s15], $0x80, s5, s15, $0xb8;
	[tilespmem:$0x1AC00] =	vst v63  }
.LBB2_2:
0x1b: {  	s0 =	smulhi.u32 $0x51EB851F, s25;
	_ =	sdelay $0x1  }
0x1c: {  	s0 =	sshrl.u32 s0, $0x6  }
0x1d: {  	s0 =	smul.u32 $0xFFFE7000, s0;
	_ =	sdelay $0x1  }
0x1e: {  	_ =	swait.ge [sflag:s17], $0x4000;
	s0 =	sshra.s32 s0, $0x2  }
0x1f: {  	p0 =	seq.s32 s28, $0x0;
	[sflag:s17] =	ssyncset.done $0x0;
	s0 =	sadd.s32 s0, s26  }
0x20: {  	s2 =	simm.s32 @!p0 $0x4;
	[sflag:s17] =	ssyncadd.s32 $0xFFFFC000;
	v0 =	vmov s0  }
0x21: {  	_ =	swait.ge @!p0 [sflag:s2], $0x4000  }
0x22: {  	s7 =	sshll.u32 s28, $0x8;
	[sflag:s2] =	ssyncset.done @!p0 $0x0  }
0x23: {  	s30 =	simm.s32 $0x0;
	s29 =	sor.u32 $0x80, s7;
	[sflag:s2] =	ssyncadd.s32 @!p0 $0xFFFFC000  }
0x24: {  	[tilespmem:s18], [sflag:$0x2] =	stream.indirect.gather [hbm4b:s1+s15], $0x80, s29, s15, $0xb8;
	[tilespmem:$0x1AC00] =	vst v63  }
0x25: {  	v1 =	vld.idx.msk [tilespmem:v0+s30+$0x180 ss:$0x1], $0xffff  }
0x26: {  	v2 =	vld.idx.msk [tilespmem:v0+s30+$0x0 ss:$0x1], $0xffff  }
0x27: {  	v3 =	vld.idx.msk [tilespmem:v0+s30+$0x80 ss:$0x1], $0xffff;
	_ =	sdelay $0x1  }
0x28: {  	v4 =	vld.idx.msk [tilespmem:v0+s30+$0x100 ss:$0x1], $0xffff  }
0x29: {  	[tilespmem:s30+$0x12D80] =	vst.add.f32.msk $0xffff, v1  }
0x2a: {  	[tilespmem:s30+$0x12C00] =	vst.add.f32.msk $0xffff, v2  }
0x2b: {  	[tilespmem:s30+$0x12C80] =	vst.add.f32.msk $0xffff, v3  }
0x2c: {  	v1 =	vld.idx.msk [tilespmem:v0+s30+$0x190 ss:$0x1], $0xffff  }
0x2d: {  	v2 =	vld.idx.msk [tilespmem:v0+s30+$0x10 ss:$0x1], $0xffff  }
0x2e: {  	v3 =	vld.idx.msk [tilespmem:v0+s30+$0x90 ss:$0x1], $0xffff  }
0x2f: {  	[tilespmem:s30+$0x12D00] =	vst.add.f32.msk $0xffff, v4  }
0x30: {  	v4 =	vld.idx.msk [tilespmem:v0+s30+$0x110 ss:$0x1], $0xffff  }
0x31: {  	[tilespmem:s30+$0x12D90] =	vst.add.f32.msk $0xffff, v1  }
0x32: {  	[tilespmem:s30+$0x12C10] =	vst.add.f32.msk $0xffff, v2  }
0x33: {  	[tilespmem:s30+$0x12C90] =	vst.add.f32.msk $0xffff, v3  }
0x34: {  	v1 =	vld.idx.msk [tilespmem:v0+s30+$0x1A0 ss:$0x1], $0xffff  }
0x35: {  	v2 =	vld.idx.msk [tilespmem:v0+s30+$0x20 ss:$0x1], $0xffff  }
0x36: {  	v3 =	vld.idx.msk [tilespmem:v0+s30+$0xA0 ss:$0x1], $0xffff  }
0x37: {  	[tilespmem:s30+$0x12D10] =	vst.add.f32.msk $0xffff, v4  }
0x38: {  	v4 =	vld.idx.msk [tilespmem:v0+s30+$0x120 ss:$0x1], $0xffff  }
0x39: {  	[tilespmem:s30+$0x12DA0] =	vst.add.f32.msk $0xffff, v1  }
0x3a: {  	[tilespmem:s30+$0x12C20] =	vst.add.f32.msk $0xffff, v2  }
0x3b: {  	[tilespmem:s30+$0x12CA0] =	vst.add.f32.msk $0xffff, v3  }
0x3c: {  	v1 =	vld.idx.msk [tilespmem:v0+s30+$0x1B0 ss:$0x1], $0xffff  }
0x3d: {  	v2 =	vld.idx.msk [tilespmem:v0+s30+$0x30 ss:$0x1], $0xffff  }
0x3e: {  	v3 =	vld.idx.msk [tilespmem:v0+s30+$0xB0 ss:$0x1], $0xffff  }
0x3f: {  	[tilespmem:s30+$0x12D20] =	vst.add.f32.msk $0xffff, v4  }
0x40: {  	v4 =	vld.idx.msk [tilespmem:v0+s30+$0x130 ss:$0x1], $0xffff  }
0x41: {  	[tilespmem:s30+$0x12DB0] =	vst.add.f32.msk $0xffff, v1  }
0x42: {  	[tilespmem:s30+$0x12C30] =	vst.add.f32.msk $0xffff, v2  }
0x43: {  	[tilespmem:s30+$0x12CB0] =	vst.add.f32.msk $0xffff, v3  }
0x44: {  	v1 =	vld.idx.msk [tilespmem:v0+s30+$0x1C0 ss:$0x1], $0xffff  }
0x45: {  	v2 =	vld.idx.msk [tilespmem:v0+s30+$0x40 ss:$0x1], $0xffff  }
0x46: {  	v3 =	vld.idx.msk [tilespmem:v0+s30+$0xC0 ss:$0x1], $0xffff  }
0x47: {  	[tilespmem:s30+$0x12D30] =	vst.add.f32.msk $0xffff, v4  }
0x48: {  	v4 =	vld.idx.msk [tilespmem:v0+s30+$0x140 ss:$0x1], $0xffff  }
0x49: {  	[tilespmem:s30+$0x12DC0] =	vst.add.f32.msk $0xffff, v1  }
0x4a: {  	[tilespmem:s30+$0x12C40] =	vst.add.f32.msk $0xffff, v2  }
0x4b: {  	[tilespmem:s30+$0x12CC0] =	vst.add.f32.msk $0xffff, v3  }
0x4c: {  	v1 =	vld.idx.msk [tilespmem:v0+s30+$0x1D0 ss:$0x1], $0xffff  }
0x4d: {  	v2 =	vld.idx.msk [tilespmem:v0+s30+$0x50 ss:$0x1], $0xffff  }
0x4e: {  	[tilespmem:s30+$0x12D40] =	vst.add.f32.msk $0xffff, v4  }
0x4f: {  	v3 =	vld.idx.msk [tilespmem:v0+s30+$0xD0 ss:$0x1], $0xffff  }
0x50: {  	v4 =	vld.idx.msk [tilespmem:v0+s30+$0x150 ss:$0x1], $0xffff  }
0x51: {  	[tilespmem:s30+$0x12DD0] =	vst.add.f32.msk $0xffff, v1  }
0x52: {  	[tilespmem:s30+$0x12C50] =	vst.add.f32.msk $0xffff, v2  }
0x53: {  	v1 =	vld.idx.msk [tilespmem:v0+s30+$0x1E0 ss:$0x1], $0xffff  }
0x54: {  	[tilespmem:s30+$0x12CD0] =	vst.add.f32.msk $0xffff, v3  }
0x55: {  	[tilespmem:s30+$0x12D50] =	vst.add.f32.msk $0xffff, v4  }
0x56: {  	v2 =	vld.idx.msk [tilespmem:v0+s30+$0x60 ss:$0x1], $0xffff  }
0x57: {  	v5 =	vld.idx.msk [tilespmem:v0+s30+$0xE0 ss:$0x1], $0xffff  }
0x58: {  	[tilespmem:s30+$0x12DE0] =	vst.add.f32.msk $0xffff, v1  }
0x59: {  	s14 =	smulhi.u32 $0x51EB851F, s23;
	v1 =	vld.idx.msk [tilespmem:v0+s30+$0x1F0 ss:$0x1], $0xffff  }
0x5a: {  	v3 =	vld.idx.msk [tilespmem:v0+s30+$0x160 ss:$0x1], $0xffff  }
0x5b: {  	s2 =	sshrl.u32 s14, $0x6;
	[tilespmem:s30+$0x12C60] =	vst.add.f32.msk $0xffff, v2  }
0x5c: {  	s2 =	smul.u32 $0xFFFE7000, s2;
	[tilespmem:s30+$0x12CE0] =	vst.add.f32.msk $0xffff, v5  }
0x5d: {  	v2 =	vld.idx.msk [tilespmem:v0+s30+$0x70 ss:$0x1], $0xffff  }
0x5e: {  	s31 =	sshll.u32 s28, $0xA;
	s3 =	simm.s32 $0x0;
	s2 =	sshra.s32 s2, $0x2;
	[tilespmem:s30+$0x12DF0] =	vst.add.f32.msk $0xffff, v1  }
0x5f: {  	s14 =	simm.s32 $0x800;
	s0 =	sadd.s32 s6, s7;
	s2 =	sadd.s32 s2, s24;
	v1 =	vld.idx.msk [tilespmem:v0+s30+$0xF0 ss:$0x1], $0xffff  }
.LBB2_3:
0x60: {  	s7 =	sshra.s32 s14, $0x2;
	s3 =	sadd.s32 $0x4, s3;
	[tilespmem:s30+$0x12D60] =	vst.add.f32.msk $0xffff, v3  }
0x61: {  	v3 =	vld.idx.msk [tilespmem:v0+s7+$0x180 ss:$0x1], $0xffff;
	p0 =	slt.u32 s3, $0x7C  }
0x62: {  	v4 =	vld.idx.msk [tilespmem:v0+s7+$0x0 ss:$0x1], $0xffff  }
0x63: {  	v5 =	vld.idx.msk [tilespmem:v0+s7+$0x80 ss:$0x1], $0xffff  }
0x64: {  	v6 =	vld.idx.msk [tilespmem:v0+s7+$0x100 ss:$0x1], $0xffff  }
0x65: {  	v7 =	vld.idx.msk [tilespmem:v0+s30+$0x170 ss:$0x1], $0xffff  }
0x66: {  	[tilespmem:s30+$0x12C70] =	vst.add.f32.msk $0xffff, v2  }
0x67: {  	[tilespmem:s7+$0x12D80] =	vst.add.f32.msk $0xffff, v3  }
0x68: {  	v2 =	vld.idx.msk [tilespmem:v0+s7+$0x190 ss:$0x1], $0xffff  }
0x69: {  	[tilespmem:s7+$0x12C00] =	vst.add.f32.msk $0xffff, v4  }
0x6a: {  	[tilespmem:s7+$0x12C80] =	vst.add.f32.msk $0xffff, v5  }
0x6b: {  	[tilespmem:s7+$0x12D00] =	vst.add.f32.msk $0xffff, v6  }
0x6c: {  	v3 =	vld.idx.msk [tilespmem:v0+s7+$0x10 ss:$0x1], $0xffff  }
0x6d: {  	v4 =	vld.idx.msk [tilespmem:v0+s7+$0x90 ss:$0x1], $0xffff  }
0x6e: {  	[tilespmem:s7+$0x12D90] =	vst.add.f32.msk $0xffff, v2  }
0x6f: {  	v2 =	vld.idx.msk [tilespmem:v0+s7+$0x1A0 ss:$0x1], $0xffff  }
0x70: {  	v5 =	vld.idx.msk [tilespmem:v0+s7+$0x110 ss:$0x1], $0xffff  }
0x71: {  	[tilespmem:s30+$0x12CF0] =	vst.add.f32.msk $0xffff, v1  }
0x72: {  	[tilespmem:s7+$0x12C10] =	vst.add.f32.msk $0xffff, v3  }
0x73: {  	[tilespmem:s7+$0x12C90] =	vst.add.f32.msk $0xffff, v4  }
0x74: {  	v1 =	vld.idx.msk [tilespmem:v0+s7+$0x20 ss:$0x1], $0xffff  }
0x75: {  	[tilespmem:s7+$0x12DA0] =	vst.add.f32.msk $0xffff, v2  }
0x76: {  	v2 =	vld.idx.msk [tilespmem:v0+s7+$0x1B0 ss:$0x1], $0xffff  }
0x77: {  	[tilespmem:s7+$0x12D10] =	vst.add.f32.msk $0xffff, v5  }
0x78: {  	v3 =	vld.idx.msk [tilespmem:v0+s7+$0xA0 ss:$0x1], $0xffff  }
0x79: {  	v4 =	vld.idx.msk [tilespmem:v0+s7+$0x120 ss:$0x1], $0xffff  }
0x7a: {  	[tilespmem:s7+$0x12C20] =	vst.add.f32.msk $0xffff, v1  }
0x7b: {  	v1 =	vld.idx.msk [tilespmem:v0+s7+$0x30 ss:$0x1], $0xffff  }
0x7c: {  	[tilespmem:s7+$0x12DB0] =	vst.add.f32.msk $0xffff, v2  }
0x7d: {  	v2 =	vld.idx.msk [tilespmem:v0+s7+$0x1C0 ss:$0x1], $0xffff  }
0x7e: {  	[tilespmem:s7+$0x12CA0] =	vst.add.f32.msk $0xffff, v3  }
0x7f: {  	[tilespmem:s7+$0x12D20] =	vst.add.f32.msk $0xffff, v4  }
0x80: {  	v3 =	vld.idx.msk [tilespmem:v0+s7+$0xB0 ss:$0x1], $0xffff  }
0x81: {  	v4 =	vld.idx.msk [tilespmem:v0+s7+$0x130 ss:$0x1], $0xffff  }
0x82: {  	[tilespmem:s7+$0x12C30] =	vst.add.f32.msk $0xffff, v1  }
0x83: {  	[tilespmem:s7+$0x12DC0] =	vst.add.f32.msk $0xffff, v2  }
0x84: {  	v1 =	vld.idx.msk [tilespmem:v0+s7+$0x1D0 ss:$0x1], $0xffff  }
0x85: {  	v2 =	vld.idx.msk [tilespmem:v0+s7+$0x40 ss:$0x1], $0xffff  }
0x86: {  	[tilespmem:s7+$0x12CB0] =	vst.add.f32.msk $0xffff, v3  }
0x87: {  	[tilespmem:s7+$0x12D30] =	vst.add.f32.msk $0xffff, v4  }
0x88: {  	v3 =	vld.idx.msk [tilespmem:v0+s7+$0xC0 ss:$0x1], $0xffff  }
0x89: {  	v4 =	vld.idx.msk [tilespmem:v0+s7+$0x140 ss:$0x1], $0xffff  }
0x8a: {  	[tilespmem:s7+$0x12DD0] =	vst.add.f32.msk $0xffff, v1  }
0x8b: {  	v1 =	vld.idx.msk [tilespmem:v0+s7+$0x1E0 ss:$0x1], $0xffff  }
0x8c: {  	[tilespmem:s7+$0x12C40] =	vst.add.f32.msk $0xffff, v2  }
0x8d: {  	v2 =	vld.idx.msk [tilespmem:v0+s7+$0x50 ss:$0x1], $0xffff  }
0x8e: {  	[tilespmem:s7+$0x12CC0] =	vst.add.f32.msk $0xffff, v3  }
0x8f: {  	[tilespmem:s7+$0x12D40] =	vst.add.f32.msk $0xffff, v4  }
0x90: {  	v3 =	vld.idx.msk [tilespmem:v0+s7+$0xD0 ss:$0x1], $0xffff  }
0x91: {  	[tilespmem:s7+$0x12DE0] =	vst.add.f32.msk $0xffff, v1  }
0x92: {  	v1 =	vld.idx.msk [tilespmem:v0+s7+$0x1F0 ss:$0x1], $0xffff  }
0x93: {  	v4 =	vld.idx.msk [tilespmem:v0+s7+$0x150 ss:$0x1], $0xffff  }
0x94: {  	[tilespmem:s7+$0x12C50] =	vst.add.f32.msk $0xffff, v2  }
0x95: {  	v2 =	vld.idx.msk [tilespmem:v0+s7+$0x60 ss:$0x1], $0xffff  }
0x96: {  	[tilespmem:s7+$0x12CD0] =	vst.add.f32.msk $0xffff, v3  }
0x97: {  	v5 =	vld.idx.msk [tilespmem:v0+s7+$0xE0 ss:$0x1], $0xffff  }
0x98: {  	[tilespmem:s7+$0x12DF0] =	vst.add.f32.msk $0xffff, v1  }
0x99: {  	[tilespmem:s7+$0x12D50] =	vst.add.f32.msk $0xffff, v4  }
0x9a: {  	v3 =	vld.idx.msk [tilespmem:v0+s7+$0x160 ss:$0x1], $0xffff  }
.Ltmp0:
0x9b: {  	[tilespmem:s7+$0x12C60] =	vst.add.f32.msk $0xffff, v2;
	(pc) =	sbr.rel @p0 .LBB2_3-.Ltmp0, $4  }
0x9c: {  	v2 =	vld.idx.msk [tilespmem:v0+s7+$0x70 ss:$0x1], $0xffff  }
0x9d: {  	[tilespmem:s7+$0x12CE0] =	vst.add.f32.msk $0xffff, v5  }
0x9e: {  	v1 =	vld.idx.msk [tilespmem:v0+s7+$0xF0 ss:$0x1], $0xffff  }
0x9f: {  	s14 =	sadd.s32 $0x800, s14;
	[tilespmem:s30+$0x12D70] =	vst.add.f32.msk $0xffff, v7;
	s30 =	smov.u32 s7  }
0xa0: {  	_ =	sdelay $0x2  }
0xa1: {  	[tilespmem:s30+$0x12D60] =	vst.add.f32.msk $0xffff, v3  }
0xa2: {  	v0 =	vld.idx.msk [tilespmem:v0+s30+$0x170 ss:$0x1], $0xffff;
	_ =	sdelay $0x2  }
0xa3: {  	[tilespmem:s30+$0x12C70] =	vst.add.f32.msk $0xffff, v2  }
0xa4: {  	s0 =	sshll.u32 s0, $0x4;
	[tilespmem:s30+$0x12CF0] =	vst.add.f32.msk $0xffff, v1  }
0xa5: {  	s0 =	sadd.s32 s4, s0;
	[tilespmem:s30+$0x12D70] =	vst.add.f32.msk $0xffff, v0  }
0xa6: {  	[hbm4b:s0+s5] =	stream.linear.scatter [tilespmem:s16], [sflag:$0x3], $0x4000, $0x38;
	[tilespmem:$0x1AC00] =	vst v63  }
0xa7: {  	_ =	swait.ge [sflag:s19], $0x4000  }
0xa8: {  	p0 =	seq.s32 s28, $0x63;
	[sflag:s19] =	ssyncset.done $0x0  }
0xa9: {  	s0 =	simm.s32 @!p0 $0x3;
	[sflag:s19] =	ssyncadd.s32 $0xFFFFC000  }
0xaa: {  	v0 =	vmov s2;
	_ =	swait.ge @!p0 [sflag:s0], $0x4000  }
0xab: {  	[sflag:s0] =	ssyncset.done @!p0 $0x0  }
0xac: {  	s3 =	simm.s32 @!p0 $0x12C00;
	[sflag:s0] =	ssyncadd.s32 @!p0 $0xFFFFC000;
	s0 =	sshrl.u32 @!p0 s31, $0x2  }
0xad: {  	s2 =	simm.s32 @!p0 $0x80;
	s30 =	simm.s32 $0x0;
	s0 =	sadd.s32 @!p0 $0x100, s0  }
0xae: {  	[tilespmem:s3], [sflag:$0x1] =	stream.indirect.gather @!p0 [hbm4b:s1+s2], $0x80, s0, s2, $0xb8;
	[tilespmem:$0x1AC00] =	vst v63  }
0xaf: {  	v1 =	vld.idx.msk [tilespmem:v0+s30+$0x180 ss:$0x1], $0xffff  }
0xb0: {  	v2 =	vld.idx.msk [tilespmem:v0+s30+$0x0 ss:$0x1], $0xffff  }
0xb1: {  	v3 =	vld.idx.msk [tilespmem:v0+s30+$0x80 ss:$0x1], $0xffff;
	_ =	sdelay $0x1  }
0xb2: {  	v4 =	vld.idx.msk [tilespmem:v0+s30+$0x100 ss:$0x1], $0xffff  }
0xb3: {  	[tilespmem:s30+$0x16D80] =	vst.add.f32.msk $0xffff, v1  }
0xb4: {  	[tilespmem:s30+$0x16C00] =	vst.add.f32.msk $0xffff, v2  }
0xb5: {  	[tilespmem:s30+$0x16C80] =	vst.add.f32.msk $0xffff, v3  }
0xb6: {  	v1 =	vld.idx.msk [tilespmem:v0+s30+$0x190 ss:$0x1], $0xffff  }
0xb7: {  	v2 =	vld.idx.msk [tilespmem:v0+s30+$0x10 ss:$0x1], $0xffff  }
0xb8: {  	v3 =	vld.idx.msk [tilespmem:v0+s30+$0x90 ss:$0x1], $0xffff  }
0xb9: {  	[tilespmem:s30+$0x16D00] =	vst.add.f32.msk $0xffff, v4  }
0xba: {  	v4 =	vld.idx.msk [tilespmem:v0+s30+$0x110 ss:$0x1], $0xffff  }
0xbb: {  	[tilespmem:s30+$0x16D90] =	vst.add.f32.msk $0xffff, v1  }
0xbc: {  	[tilespmem:s30+$0x16C10] =	vst.add.f32.msk $0xffff, v2  }
0xbd: {  	[tilespmem:s30+$0x16C90] =	vst.add.f32.msk $0xffff, v3  }
0xbe: {  	v1 =	vld.idx.msk [tilespmem:v0+s30+$0x1A0 ss:$0x1], $0xffff  }
0xbf: {  	v2 =	vld.idx.msk [tilespmem:v0+s30+$0x20 ss:$0x1], $0xffff  }
0xc0: {  	v3 =	vld.idx.msk [tilespmem:v0+s30+$0xA0 ss:$0x1], $0xffff  }
0xc1: {  	[tilespmem:s30+$0x16D10] =	vst.add.f32.msk $0xffff, v4  }
0xc2: {  	v4 =	vld.idx.msk [tilespmem:v0+s30+$0x120 ss:$0x1], $0xffff  }
0xc3: {  	[tilespmem:s30+$0x16DA0] =	vst.add.f32.msk $0xffff, v1  }
0xc4: {  	[tilespmem:s30+$0x16C20] =	vst.add.f32.msk $0xffff, v2  }
0xc5: {  	[tilespmem:s30+$0x16CA0] =	vst.add.f32.msk $0xffff, v3  }
0xc6: {  	v1 =	vld.idx.msk [tilespmem:v0+s30+$0x1B0 ss:$0x1], $0xffff  }
0xc7: {  	v2 =	vld.idx.msk [tilespmem:v0+s30+$0x30 ss:$0x1], $0xffff  }
0xc8: {  	v3 =	vld.idx.msk [tilespmem:v0+s30+$0xB0 ss:$0x1], $0xffff  }
0xc9: {  	[tilespmem:s30+$0x16D20] =	vst.add.f32.msk $0xffff, v4  }
0xca: {  	v4 =	vld.idx.msk [tilespmem:v0+s30+$0x130 ss:$0x1], $0xffff  }
0xcb: {  	[tilespmem:s30+$0x16DB0] =	vst.add.f32.msk $0xffff, v1  }
0xcc: {  	[tilespmem:s30+$0x16C30] =	vst.add.f32.msk $0xffff, v2  }
0xcd: {  	[tilespmem:s30+$0x16CB0] =	vst.add.f32.msk $0xffff, v3  }
0xce: {  	v1 =	vld.idx.msk [tilespmem:v0+s30+$0x1C0 ss:$0x1], $0xffff  }
0xcf: {  	v2 =	vld.idx.msk [tilespmem:v0+s30+$0x40 ss:$0x1], $0xffff  }
0xd0: {  	v3 =	vld.idx.msk [tilespmem:v0+s30+$0xC0 ss:$0x1], $0xffff  }
0xd1: {  	[tilespmem:s30+$0x16D30] =	vst.add.f32.msk $0xffff, v4  }
0xd2: {  	v4 =	vld.idx.msk [tilespmem:v0+s30+$0x140 ss:$0x1], $0xffff  }
0xd3: {  	[tilespmem:s30+$0x16DC0] =	vst.add.f32.msk $0xffff, v1  }
0xd4: {  	[tilespmem:s30+$0x16C40] =	vst.add.f32.msk $0xffff, v2  }
0xd5: {  	[tilespmem:s30+$0x16CC0] =	vst.add.f32.msk $0xffff, v3  }
0xd6: {  	v1 =	vld.idx.msk [tilespmem:v0+s30+$0x1D0 ss:$0x1], $0xffff  }
0xd7: {  	v2 =	vld.idx.msk [tilespmem:v0+s30+$0x50 ss:$0x1], $0xffff  }
0xd8: {  	[tilespmem:s30+$0x16D40] =	vst.add.f32.msk $0xffff, v4  }
0xd9: {  	v3 =	vld.idx.msk [tilespmem:v0+s30+$0xD0 ss:$0x1], $0xffff  }
0xda: {  	v4 =	vld.idx.msk [tilespmem:v0+s30+$0x150 ss:$0x1], $0xffff  }
0xdb: {  	[tilespmem:s30+$0x16DD0] =	vst.add.f32.msk $0xffff, v1  }
0xdc: {  	[tilespmem:s30+$0x16C50] =	vst.add.f32.msk $0xffff, v2  }
0xdd: {  	v1 =	vld.idx.msk [tilespmem:v0+s30+$0x1E0 ss:$0x1], $0xffff  }
0xde: {  	[tilespmem:s30+$0x16CD0] =	vst.add.f32.msk $0xffff, v3  }
0xdf: {  	[tilespmem:s30+$0x16D50] =	vst.add.f32.msk $0xffff, v4  }
0xe0: {  	v2 =	vld.idx.msk [tilespmem:v0+s30+$0x60 ss:$0x1], $0xffff  }
0xe1: {  	v5 =	vld.idx.msk [tilespmem:v0+s30+$0xE0 ss:$0x1], $0xffff  }
0xe2: {  	[tilespmem:s30+$0x16DE0] =	vst.add.f32.msk $0xffff, v1  }
0xe3: {  	v1 =	vld.idx.msk [tilespmem:v0+s30+$0x1F0 ss:$0x1], $0xffff  }
0xe4: {  	v3 =	vld.idx.msk [tilespmem:v0+s30+$0x160 ss:$0x1], $0xffff  }
0xe5: {  	[tilespmem:s30+$0x16C60] =	vst.add.f32.msk $0xffff, v2  }
0xe6: {  	[tilespmem:s30+$0x16CE0] =	vst.add.f32.msk $0xffff, v5  }
0xe7: {  	v2 =	vld.idx.msk [tilespmem:v0+s30+$0x70 ss:$0x1], $0xffff  }
0xe8: {  	[tilespmem:s30+$0x16DF0] =	vst.add.f32.msk $0xffff, v1  }
0xe9: {  	s0 =	sadd.s32 s6, s29;
	s2 =	simm.s32 $0x0;
	s3 =	simm.s32 $0x800;
	v1 =	vld.idx.msk [tilespmem:v0+s30+$0xF0 ss:$0x1], $0xffff  }
.LBB2_5:
0xea: {  	s7 =	sshra.s32 s3, $0x2;
	s2 =	sadd.s32 $0x4, s2;
	[tilespmem:s30+$0x16D60] =	vst.add.f32.msk $0xffff, v3  }
0xeb: {  	v3 =	vld.idx.msk [tilespmem:v0+s7+$0x180 ss:$0x1], $0xffff;
	p0 =	slt.u32 s2, $0x7C  }
0xec: {  	v4 =	vld.idx.msk [tilespmem:v0+s7+$0x0 ss:$0x1], $0xffff  }
0xed: {  	v5 =	vld.idx.msk [tilespmem:v0+s7+$0x80 ss:$0x1], $0xffff  }
0xee: {  	v6 =	vld.idx.msk [tilespmem:v0+s7+$0x100 ss:$0x1], $0xffff  }
0xef: {  	v7 =	vld.idx.msk [tilespmem:v0+s30+$0x170 ss:$0x1], $0xffff  }
0xf0: {  	[tilespmem:s30+$0x16C70] =	vst.add.f32.msk $0xffff, v2  }
0xf1: {  	[tilespmem:s7+$0x16D80] =	vst.add.f32.msk $0xffff, v3  }
0xf2: {  	v2 =	vld.idx.msk [tilespmem:v0+s7+$0x190 ss:$0x1], $0xffff  }
0xf3: {  	[tilespmem:s7+$0x16C00] =	vst.add.f32.msk $0xffff, v4  }
0xf4: {  	[tilespmem:s7+$0x16C80] =	vst.add.f32.msk $0xffff, v5  }
0xf5: {  	[tilespmem:s7+$0x16D00] =	vst.add.f32.msk $0xffff, v6  }
0xf6: {  	v3 =	vld.idx.msk [tilespmem:v0+s7+$0x10 ss:$0x1], $0xffff  }
0xf7: {  	v4 =	vld.idx.msk [tilespmem:v0+s7+$0x90 ss:$0x1], $0xffff  }
0xf8: {  	[tilespmem:s7+$0x16D90] =	vst.add.f32.msk $0xffff, v2  }
0xf9: {  	v2 =	vld.idx.msk [tilespmem:v0+s7+$0x1A0 ss:$0x1], $0xffff  }
0xfa: {  	v5 =	vld.idx.msk [tilespmem:v0+s7+$0x110 ss:$0x1], $0xffff  }
0xfb: {  	[tilespmem:s30+$0x16CF0] =	vst.add.f32.msk $0xffff, v1  }
0xfc: {  	[tilespmem:s7+$0x16C10] =	vst.add.f32.msk $0xffff, v3  }
0xfd: {  	[tilespmem:s7+$0x16C90] =	vst.add.f32.msk $0xffff, v4  }
0xfe: {  	v1 =	vld.idx.msk [tilespmem:v0+s7+$0x20 ss:$0x1], $0xffff  }
0xff: {  	[tilespmem:s7+$0x16DA0] =	vst.add.f32.msk $0xffff, v2  }
0x100: {  	v2 =	vld.idx.msk [tilespmem:v0+s7+$0x1B0 ss:$0x1], $0xffff  }
0x101: {  	[tilespmem:s7+$0x16D10] =	vst.add.f32.msk $0xffff, v5  }
0x102: {  	v3 =	vld.idx.msk [tilespmem:v0+s7+$0xA0 ss:$0x1], $0xffff  }
0x103: {  	v4 =	vld.idx.msk [tilespmem:v0+s7+$0x120 ss:$0x1], $0xffff  }
0x104: {  	[tilespmem:s7+$0x16C20] =	vst.add.f32.msk $0xffff, v1  }
0x105: {  	v1 =	vld.idx.msk [tilespmem:v0+s7+$0x30 ss:$0x1], $0xffff  }
0x106: {  	[tilespmem:s7+$0x16DB0] =	vst.add.f32.msk $0xffff, v2  }
0x107: {  	v2 =	vld.idx.msk [tilespmem:v0+s7+$0x1C0 ss:$0x1], $0xffff  }
0x108: {  	[tilespmem:s7+$0x16CA0] =	vst.add.f32.msk $0xffff, v3  }
0x109: {  	[tilespmem:s7+$0x16D20] =	vst.add.f32.msk $0xffff, v4  }
0x10a: {  	v3 =	vld.idx.msk [tilespmem:v0+s7+$0xB0 ss:$0x1], $0xffff  }
0x10b: {  	v4 =	vld.idx.msk [tilespmem:v0+s7+$0x130 ss:$0x1], $0xffff  }
0x10c: {  	[tilespmem:s7+$0x16C30] =	vst.add.f32.msk $0xffff, v1  }
0x10d: {  	[tilespmem:s7+$0x16DC0] =	vst.add.f32.msk $0xffff, v2  }
0x10e: {  	v1 =	vld.idx.msk [tilespmem:v0+s7+$0x1D0 ss:$0x1], $0xffff  }
0x10f: {  	v2 =	vld.idx.msk [tilespmem:v0+s7+$0x40 ss:$0x1], $0xffff  }
0x110: {  	[tilespmem:s7+$0x16CB0] =	vst.add.f32.msk $0xffff, v3  }
0x111: {  	[tilespmem:s7+$0x16D30] =	vst.add.f32.msk $0xffff, v4  }
0x112: {  	v3 =	vld.idx.msk [tilespmem:v0+s7+$0xC0 ss:$0x1], $0xffff  }
0x113: {  	v4 =	vld.idx.msk [tilespmem:v0+s7+$0x140 ss:$0x1], $0xffff  }
0x114: {  	[tilespmem:s7+$0x16DD0] =	vst.add.f32.msk $0xffff, v1  }
0x115: {  	v1 =	vld.idx.msk [tilespmem:v0+s7+$0x1E0 ss:$0x1], $0xffff  }
0x116: {  	[tilespmem:s7+$0x16C40] =	vst.add.f32.msk $0xffff, v2  }
0x117: {  	v2 =	vld.idx.msk [tilespmem:v0+s7+$0x50 ss:$0x1], $0xffff  }
0x118: {  	[tilespmem:s7+$0x16CC0] =	vst.add.f32.msk $0xffff, v3  }
0x119: {  	[tilespmem:s7+$0x16D40] =	vst.add.f32.msk $0xffff, v4  }
0x11a: {  	v3 =	vld.idx.msk [tilespmem:v0+s7+$0xD0 ss:$0x1], $0xffff  }
0x11b: {  	[tilespmem:s7+$0x16DE0] =	vst.add.f32.msk $0xffff, v1  }
0x11c: {  	v1 =	vld.idx.msk [tilespmem:v0+s7+$0x1F0 ss:$0x1], $0xffff  }
0x11d: {  	v4 =	vld.idx.msk [tilespmem:v0+s7+$0x150 ss:$0x1], $0xffff  }
0x11e: {  	[tilespmem:s7+$0x16C50] =	vst.add.f32.msk $0xffff, v2  }
0x11f: {  	v2 =	vld.idx.msk [tilespmem:v0+s7+$0x60 ss:$0x1], $0xffff  }
0x120: {  	[tilespmem:s7+$0x16CD0] =	vst.add.f32.msk $0xffff, v3  }
0x121: {  	v5 =	vld.idx.msk [tilespmem:v0+s7+$0xE0 ss:$0x1], $0xffff  }
0x122: {  	[tilespmem:s7+$0x16DF0] =	vst.add.f32.msk $0xffff, v1  }
0x123: {  	[tilespmem:s7+$0x16D50] =	vst.add.f32.msk $0xffff, v4  }
0x124: {  	v3 =	vld.idx.msk [tilespmem:v0+s7+$0x160 ss:$0x1], $0xffff  }
.Ltmp1:
0x125: {  	[tilespmem:s7+$0x16C60] =	vst.add.f32.msk $0xffff, v2;
	(pc) =	sbr.rel @p0 .LBB2_5-.Ltmp1, $4  }
0x126: {  	v2 =	vld.idx.msk [tilespmem:v0+s7+$0x70 ss:$0x1], $0xffff  }
0x127: {  	[tilespmem:s7+$0x16CE0] =	vst.add.f32.msk $0xffff, v5  }
0x128: {  	v1 =	vld.idx.msk [tilespmem:v0+s7+$0xF0 ss:$0x1], $0xffff  }
0x129: {  	s3 =	sadd.s32 $0x800, s3;
	[tilespmem:s30+$0x16D70] =	vst.add.f32.msk $0xffff, v7;
	s30 =	smov.u32 s7  }
0x12a: {  	_ =	sdelay $0x2  }
0x12b: {  	[tilespmem:s30+$0x16D60] =	vst.add.f32.msk $0xffff, v3  }
0x12c: {  	s28 =	sadd.s32 $0x1, s28;
	v0 =	vld.idx.msk [tilespmem:v0+s30+$0x170 ss:$0x1], $0xffff  }
0x12d: {  	p0 =	sne.s32 s28, $0x64  }
.Ltmp2:
0x12e: {  	_ = 	snop;
	(pc) =	sbr.rel @p0 .LBB2_2-.Ltmp2, $4  }
0x12f: {  	[tilespmem:s30+$0x16C70] =	vst.add.f32.msk $0xffff, v2  }
0x130: {  	s0 =	sshll.u32 s0, $0x4;
	s26 =	sadd.s32 $0x8000, s26;
	s25 =	sadd.s32 $0x100, s25;
	[tilespmem:s30+$0x16CF0] =	vst.add.f32.msk $0xffff, v1  }
0x131: {  	s24 =	sadd.s32 $0x8000, s24;
	s23 =	sadd.s32 $0x100, s23;
	s0 =	sadd.s32 s4, s0;
	[tilespmem:s30+$0x16D70] =	vst.add.f32.msk $0xffff, v0  }
0x132: {  	[hbm4b:s0+s5] =	stream.linear.scatter [tilespmem:s18], [sflag:$0x4], $0x4000, $0x38;
	[tilespmem:$0x1AC00] =	vst v63  }
0x133: {  	s22 =	sadd.s32 $0x1, s22  }
0x134: {  	_ =	swait.ge [sflag:s20], $0x4000;
	p0 =	sne.s32 s22, s8  }
.Ltmp3:
0x135: {  	[sflag:s20] =	ssyncset.done $0x0;
	(pc) =	sbr.rel @p0 .LBB2_1-.Ltmp3, $4  }
0x136: {  	[sflag:s20] =	ssyncadd.s32 $0xFFFFC000  }
0x137: {  	_ =	swait.ge [sflag:s21], $0x4000  }
0x138: {  	[sflag:s21] =	ssyncset.done $0x0  }
0x139: {  	[sflag:s21] =	ssyncadd.s32 $0xFFFFC000  }
0x13a: {  	_ =	sfence.sel $0x180000  }
0x13b: {  	[bflag:$0x0] =	sbarrier.arrive $0xFFFF  }
0x13c: {  	_ =	strace $0x90000047  }
0x13d: {  	s0 =	stileid.u32;
	[bflag:$0x2] =	sbarrier.arrive $0xFFFF  }
0x13e: {  	p0 =	sne.s32 s0, $0x0;
	s0 =	rddreg [dreg:$0x4]  }
0x13f: {  	s0 =	sadd.s32 @!p0 $0x100000, s0  }
0x140: {  	[sflag:s0] =	ssyncadd.tile.s32 @!p0 $0x1;
	_ =	shalt  }
.Lfunc_end2:
_tile_overlayer_lowered:
.L_overlay_start_2:
0x141: {  	(tag) =	ssettag $0x2  }
0x142: {  	s0 =	rddreg [dreg:$0x0];
	s2 =	stileid.u32  }
0x143: {  	s1 =	rddreg [dreg:$0x1];
	p0 =	sne.s32 s2, $0x0  }
0x144: {  	s3 =	rddreg [dreg:$0x2];
	[bflag:$0x3] =	sbarrier.arrive $0xFFFF;
	s2 =	simm.s32 @!p0 $0x1C05  }
0x145: {  	[timem:s3], [sflag:s2] =	dma.local @!p0 [hbm:s0], s1  }
0x146: {  	s0 =	simm.s32 @!p0 $0x5  }
0x147: {  	_ =	swait.ge @!p0 [sflag:s0], s1  }
0x148: {  	s1 =	ssub.s32 @!p0 $0x0, s1;
	[sflag:s0] =	ssyncset.done @!p0 $0x0  }
0x149: {  	[sflag:s0] =	ssyncadd.s32 @!p0 s1  }
0x14a: {  	[bflag:$0x3] =	sbarrier.arrive $0xFFFF  }
0x14b: {  	_ =	shalt  }

</sc_bundles>
